<compile_context>
chip_gen: v7x
topology: tpu7x:2x2x1
jax: 0.10.2.dev20260603
libtpu: 0.0.44.dev20260713+nightly
codegen_flags: <defaults>
</compile_context>

<pallas_src>
import functools

import jax
import jax.numpy as jnp
import numpy as np
from jax import lax
from jax.experimental import pallas as pl
from jax.experimental.pallas import tpu as pltpu
from jax.experimental.pallas import tpu_sc as plsc

_NUM_CLASSES = 3
_NUM_TIMESTEPS = 1000
_LAMBDA_AUX = 0.001

_B, _N, _M = 32, 128, 512
_NB = 32

_TINY = np.float32(np.finfo(np.float32).tiny)


def _build_mats():
    scale = 1000.0 / _NUM_TIMESTEPS
    betas = np.linspace(scale * 0.0001, scale * 0.02, _NUM_TIMESTEPS)
    Qs = []
    bar = np.eye(_NUM_CLASSES)
    Qbars = [np.eye(_NUM_CLASSES)]
    for beta in betas:
        Q = (1.0 - beta * 3.0 / 2.0) * np.eye(_NUM_CLASSES) + (beta / 2.0) * np.ones(
            (_NUM_CLASSES, _NUM_CLASSES))
        Qs.append(Q)
        bar = bar @ Q
        Qbars.append(bar.copy())
    return (np.stack(Qs).astype(np.float32), np.stack(Qbars).astype(np.float32))


_Q_ONE_STEP_NP, _Q_BAR_NP = _build_mats()
_QCAT_NP = np.zeros((2001, 128), np.float32)
_QCAT_NP[:1001, :9] = _Q_BAR_NP.reshape(1001, 9)
_QCAT_NP[1001:, :9] = _Q_ONE_STEP_NP.reshape(1000, 9)


def _sc_gather_rows(qcat, t):
    mesh = plsc.VectorSubcoreMesh(core_axis_name="c", subcore_axis_name="s")

    @functools.partial(
        pl.kernel, mesh=mesh,
        out_type=jax.ShapeDtypeStruct((96, 128), jnp.float32),
        scratch_types=[
            pltpu.VMEM((32,), jnp.int32),
            pltpu.VMEM((96,), jnp.int32),
            pltpu.VMEM((96, 128), jnp.float32),
            pltpu.SemaphoreType.DMA,
        ],
    )
    def gather_rows(qcat_hbm, t_hbm, out_hbm, t_v, idx_v, rows_v, sem):
        wid = lax.axis_index("s") * 2 + lax.axis_index("c")

        @pl.when(wid == 0)
        def _():
            pltpu.sync_copy(t_hbm, t_v)
            for c in range(2):
                tt = t_v[pl.ds(16 * c, 16)]
                idx_v[pl.ds(16 * c, 16)] = tt
                idx_v[pl.ds(32 + 16 * c, 16)] = tt - 1
                idx_v[pl.ds(64 + 16 * c, 16)] = tt + 1000
            pltpu.async_copy(qcat_hbm.at[idx_v], rows_v, sem).wait()
            pltpu.sync_copy(rows_v, out_hbm)

    return gather_rows(qcat, t)


def _threefry_xor(lo):
    k1 = jnp.int32(0)
    k2 = jnp.int32(42)
    k3 = k1 ^ k2 ^ jnp.int32(0x1BD11BDA)
    ks = (k1, k2, k3)
    rot = ((13, 15, 26, 6), (17, 29, 16, 24))

    def rotl(x, r):
        return jax.lax.shift_left(x, jnp.int32(r)) | jax.lax.shift_right_logical(
            x, jnp.int32(32 - r))

    x1 = lo + ks[1]
    x0 = x1
    x1 = x0 ^ rotl(x1, rot[0][0])
    for r in rot[0][1:]:
        x0 = x0 + x1
        x1 = rotl(x1, r)
        x1 = x0 ^ x1
    x0 = x0 + ks[1]
    x1 = x1 + ks[2] + jnp.int32(1)
    for i in range(1, 5):
        for r in rot[i % 2]:
            x0 = x0 + x1
            x1 = rotl(x1, r)
            x1 = x0 ^ x1
        x0 = x0 + ks[(i + 1) % 3]
        x1 = x1 + ks[(i + 2) % 3] + jnp.int32(i + 1)
    return x0 ^ x1


def _gumbel_from_bits(bits):
    fb = jax.lax.shift_right_logical(bits, jnp.int32(9)) | jnp.int32(0x3F800000)
    u = jax.lax.bitcast_convert_type(fb, jnp.float32) - jnp.float32(1.0)
    u = jnp.maximum(_TINY, u)
    return -jnp.log(-jnp.log(u))


def _body(x0_ref, mask_ref, L_ref, T_ref, out_ref):
    b_ = pl.program_id(0)
    n_ = pl.program_id(1)

    @pl.when((b_ == 0) & (n_ == 0))
    def _init():
        out_ref[...] = jnp.zeros((16, 128), jnp.float32)

    maskf = mask_ref[0].astype(jnp.float32)

    @pl.when(n_ == 0)
    def _count_valid():
        mrow = maskf[:, 0:128]
        for j in range(1, _M // 128):
            mrow = mrow + maskf[:, 128 * j:128 * (j + 1)]
        out_ref[8:9, :] += mrow

    x0 = x0_ref[0]
    is0 = x0 == 0
    is1 = x0 == 1

    base = b_ * (_N * _M) + n_ * (_NB * _M)
    rowi = jax.lax.broadcasted_iota(jnp.int32, (_NB, _M), 0)
    coli = jax.lax.broadcasted_iota(jnp.int32, (_NB, _M), 1)
    cell = base + rowi * _M + coli

    v = []
    for k in range(_NUM_CLASSES):
        z = _gumbel_from_bits(_threefry_xor(cell * 3 + k))
        lg = jnp.where(is0, L_ref[b_, k],
                       jnp.where(is1, L_ref[b_, 3 + k], L_ref[b_, 6 + k]))
        v.append(z + lg)

    xt1 = v[1] > v[0]
    xt2 = v[2] > jnp.maximum(v[0], v[1])

    def row(i):
        return jnp.where(xt2, T_ref[b_, 3 * i + 2],
                         jnp.where(xt1, T_ref[b_, 3 * i + 1], T_ref[b_, 3 * i]))

    tval = jnp.where(is0, row(0), jnp.where(is1, row(1), row(2)))
    contrib = tval * maskf
    folded = contrib[:, 0:128]
    for j in range(1, _M // 128):
        folded = folded + contrib[:, 128 * j:128 * (j + 1)]
    rows = folded[0:8, :]
    for j in range(1, _NB // 8):
        rows = rows + folded[8 * j:8 * (j + 1), :]
    out_ref[0:8, :] += rows


def _tables(t, W, b):
    rows = _sc_gather_rows(jnp.asarray(_QCAT_NP), t)
    Qb_t = rows[0:_B, :9].reshape(_B, 3, 3)
    Qb1 = rows[_B:2 * _B, :9].reshape(_B, 3, 3)
    Qt = rows[2 * _B:3 * _B, :9].reshape(_B, 3, 3)
    Ltab = jnp.log(jnp.clip(Qb_t, 1e-12))

    pred = W + b[None, :]
    P0 = jax.nn.softmax(pred, axis=-1)
    LS = jax.nn.log_softmax(pred, axis=-1)
    CE = -LS.T

    q_un = jnp.einsum('bkj,bik->bijk', Qt, Qb1)
    q_post = q_un / jnp.clip(q_un.sum(-1, keepdims=True), 1e-12)
    pw = jnp.einsum('jc,bck->bjk', P0, Qb1)
    p_un = jnp.einsum('bkj,bjk->bjk', Qt, pw)
    p_post = p_un / jnp.clip(p_un.sum(-1, keepdims=True), 1e-12)
    kl = (q_post * (jnp.log(jnp.clip(q_post, 1e-12))
                    - jnp.log(jnp.clip(p_post, 1e-12))[:, None, :, :])).sum(-1)
    T = kl + _LAMBDA_AUX * CE[None, :, :]
    return (Ltab.reshape(_B, 9).astype(jnp.float32),
            T.reshape(_B, 9).astype(jnp.float32))


def kernel(x_0, clause_mask, t, W, b):
    Ltab, Ttab = _tables(t, W, b)
    mask3 = clause_mask.reshape(_B, 1, _M)

    acc = pl.pallas_call(
        _body,
        grid=(_B, _N // _NB),
        in_specs=[
            pl.BlockSpec((1, _NB, _M), lambda b_, n_: (b_, n_, 0)),
            pl.BlockSpec((1, 1, _M), lambda b_, n_: (b_, 0, 0)),
            pl.BlockSpec(memory_space=pltpu.SMEM),
            pl.BlockSpec(memory_space=pltpu.SMEM),
        ],
        out_specs=pl.BlockSpec((16, 128), lambda b_, n_: (0, 0)),
        out_shape=jax.ShapeDtypeStruct((16, 128), jnp.float32),
    )(x_0, mask3, Ltab, Ttab)

    total_valid = jnp.maximum(jnp.float32(_N) * jnp.sum(acc[8:16]), 1.0)
    return jnp.sum(acc[0:8]) / total_valid

# --- scband reference (transcript-rebuilt; emitter-appended) ---
"""Pipeline reference for scband-d3-pmforward-corruption-29411936043009 (READ-ONLY COPY).

The authoritative reference and input builder live on the scoring server;
editing this copy changes nothing except your own understanding.
"""

import jax, jax.numpy as jnp
import numpy as np

NUM_CLASSES = 3
NUM_TIMESTEPS = 1000
LAMBDA_AUX = 0.001


def _build_mats():
    scale = 1000.0 / NUM_TIMESTEPS
    betas = np.linspace(scale * 0.0001, scale * 0.02, NUM_TIMESTEPS)
    Qs = []
    bar = np.eye(NUM_CLASSES)
    Qbars = [np.eye(NUM_CLASSES)]
    for beta in betas:
        Q = (1.0 - beta * 3.0 / 2.0) * np.eye(NUM_CLASSES) + (beta / 2.0) * np.ones((NUM_CLASSES, NUM_CLASSES))
        Qs.append(Q)
        bar = bar @ Q
        Qbars.append(bar.copy())
    return (jnp.asarray(np.stack(Qs), dtype=jnp.float32),
            jnp.asarray(np.stack(Qbars), dtype=jnp.float32))

Q_ONE_STEP, Q_BAR = _build_mats()

B, N, M = 32, 128, 512


def setup_inputs(seed: int = 0) -> dict:
    key = jax.random.key(seed)
    k1, k2, k3, k4 = jax.random.split(key, 4)
    x_0 = jax.random.randint(k1, (B, N, M), 0, NUM_CLASSES, dtype=jnp.int32)
    clause_mask = jax.random.randint(k2, (B, M), 0, 2, dtype=jnp.int32).astype(jnp.bool_)
    t = jax.random.randint(k3, (B,), 1, NUM_TIMESTEPS, dtype=jnp.int32)
    W = jax.random.normal(k4, (NUM_CLASSES, NUM_CLASSES), dtype=jnp.float32) * 0.1
    b = jnp.zeros((NUM_CLASSES,), dtype=jnp.float32)
    return {"x_0": x_0, "clause_mask": clause_mask, "t": t, "W": W, "b": b}


def _q_sample(x_0, t, clause_mask):
    bar_Q_t = Q_BAR[t]  # (B, K, K)
    x0_oh = jax.nn.one_hot(x_0, NUM_CLASSES, dtype=jnp.float32)  # (B,N,M,K)
    probs = jnp.einsum('bnmk,bkj->bnmj', x0_oh, bar_Q_t)
    key = jax.random.key(42)
    x_t = jax.random.categorical(key, jnp.log(jnp.clip(probs, 1e-12)), axis=-1)
    x_t = jnp.where(clause_mask[:, None, :], x_t, 0)
    return x_t


def reference(x_0, clause_mask, t, W, b):
    x_t = _q_sample(x_0, t, clause_mask)
    x_t_oh = jax.nn.one_hot(x_t, NUM_CLASSES, dtype=jnp.float32)
    x_0_oh = jax.nn.one_hot(x_0, NUM_CLASSES, dtype=jnp.float32)
    # stand-in denoising model: per-cell linear over one-hot(x_t)
    predicted_logits = jnp.einsum('bnmk,kj->bnmj', x_t_oh, W) + b
    Q_t = Q_ONE_STEP[t - 1]        # (B,K,K)
    Q_bar_tm1 = Q_BAR[t - 1]       # (B,K,K)
    # true posterior q(x_{t-1} | x_t, x_0)
    Q_t_col = jnp.einsum('bjk,bnmk->bnmj', Q_t, x_t_oh)
    Q_bar_row = jnp.einsum('bnmi,bij->bnmj', x_0_oh, Q_bar_tm1)
    q_unnorm = Q_t_col * Q_bar_row
    q_post = q_unnorm / jnp.clip(q_unnorm.sum(axis=-1, keepdims=True), 1e-12)
    # model posterior p_theta(x_{t-1} | x_t)
    p_x0 = jax.nn.softmax(predicted_logits, axis=-1)
    Q_bar_weighted = jnp.einsum('bnmc,bcj->bnmj', p_x0, Q_bar_tm1)
    p_unnorm = Q_t_col * Q_bar_weighted
    p_post = p_unnorm / jnp.clip(p_unnorm.sum(axis=-1, keepdims=True), 1e-12)
    kl_per_cell = (q_post * (jnp.log(jnp.clip(q_post, 1e-12)) - jnp.log(jnp.clip(p_post, 1e-12)))).sum(axis=-1)
    logp = jax.nn.log_softmax(predicted_logits, axis=-1)
    ce_per_cell = -jnp.take_along_axis(logp, x_0[..., None].astype(jnp.int32), axis=-1)[..., 0]
    valid = jnp.broadcast_to(clause_mask[:, None, :], ce_per_cell.shape).astype(jnp.float32)
    total_valid = jnp.maximum(valid.sum(), 1.0)
    kl_loss = (kl_per_cell * valid).sum() / total_valid
    ce_loss = (ce_per_cell * valid).sum() / total_valid
    loss = kl_loss + LAMBDA_AUX * ce_loss
    return loss

if __name__ == "__main__":
    import jax
    _d = setup_inputs()
    print(jax.jit(kernel)(*tuple(_d.values())))

</pallas_src>

<mosaic_0001>
#map = affine_map<(d0, d1) -> (0, 0)>
#map1 = affine_map<(d0, d1) -> (0)>
module attributes {stable_mosaic.version = 14 : i64} {
  func.func @gather_rows(%arg0: i32, %arg1: i32, %arg2: memref<2001x128xf32, #tpu.memory_space<hbm>>, %arg3: memref<32xi32, #tpu.memory_space<hbm>>, %arg4: memref<96x128xf32, #tpu.memory_space<hbm>>, %arg5: memref<32xi32, #tpu.memory_space<vmem>>, %arg6: memref<96xi32, #tpu.memory_space<vmem>>, %arg7: memref<96x128xf32, #tpu.memory_space<vmem>>, %arg8: memref<!tpu.dma_semaphore, #tpu.memory_space<semaphore_mem>>) attributes {dimension_semantics = [#tpu.dimension_semantics<core_parallel>, #tpu.dimension_semantics<subcore_parallel>], iteration_bounds = array<i64: 2, 16>, scalar_prefetch = 0 : i64, scratch_operands = 4 : i64, tpu.core_type = #tpu.core_type<sc_vector_subcore>, window_params = [{transform_indices = #map}, {transform_indices = #map1}, {transform_indices = #map}]} {
    %mul3A = arith.constant 2 : i32
    %mul3A_0 = arith.muli %arg1, %mul3A : i32
    %add3A = arith.addi %mul3A_0, %arg0 : i32
    %eq3A = arith.constant 0 : i32
    %eq3A_1 = arith.cmpi eq, %add3A, %eq3A : i32
    %convert_element_type3A = arith.extui %eq3A_1 : i1 to i32
    %cond3A = arith.constant 0 : i32
    %cond3A_2 = arith.cmpi ne, %convert_element_type3A, %cond3A : i32
    scf.if %cond3A_2 {
      "tpu.region"() ({
        %run_scoped3A = tpu.sem_alloc : memref<!tpu.dma_semaphore, #tpu.memory_space<semaphore_mem>>
        tpu.enqueue_dma source(%arg3 : memref<32xi32, #tpu.memory_space<hbm>>) target(%arg5 : memref<32xi32, #tpu.memory_space<vmem>>) target_semaphore(%run_scoped3A : memref<!tpu.dma_semaphore, #tpu.memory_space<semaphore_mem>>)
        tpu.wait_dma2 semaphore(%run_scoped3A : memref<!tpu.dma_semaphore, #tpu.memory_space<semaphore_mem>>) src(%arg3 : memref<32xi32, #tpu.memory_space<hbm>>) dst(%arg5 : memref<32xi32, #tpu.memory_space<vmem>>)
        tpu.yield
      }) : () -> ()
      %get3A = arith.constant 0 : index
      %get3A_3 = tpu.vector_load %arg5[%get3A] {strides = array<i32>} : memref<32xi32, #tpu.memory_space<vmem>>, vector<16xi32>,
      %get3A_4 = vector.shape_cast %get3A_3 : vector<16xi32> to vector<16xi32>
      %swap3A = arith.constant 0 : index
      %swap3A_5 = tpu.vector_load %arg6[%swap3A] {strides = array<i32>} : memref<96xi32, #tpu.memory_space<vmem>>, vector<16xi32>,
      %swap3A_6 = vector.shape_cast %swap3A_5 : vector<16xi32> to vector<16xi32>
      %swap3A_7 = vector.shape_cast %get3A_4 : vector<16xi32> to vector<16xi32>
      tpu.vector_store %arg6[%swap3A], %swap3A_7 {strides = array<i32>} : memref<96xi32, #tpu.memory_space<vmem>>, vector<16xi32>,
      %sub3A = arith.constant 1 : i32
      %sub3A_8 = vector.broadcast %sub3A : i32 to vector<16xi32>
      %sub3A_9 = arith.subi %get3A_4, %sub3A_8 : vector<16xi32>
      %swap3A_10 = arith.constant 32 : index
      %swap3A_11 = tpu.vector_load %arg6[%swap3A_10] {strides = array<i32>} : memref<96xi32, #tpu.memory_space<vmem>>, vector<16xi32>,
      %swap3A_12 = vector.shape_cast %swap3A_11 : vector<16xi32> to vector<16xi32>
      %swap3A_13 = vector.shape_cast %sub3A_9 : vector<16xi32> to vector<16xi32>
      tpu.vector_store %arg6[%swap3A_10], %swap3A_13 {strides = array<i32>} : memref<96xi32, #tpu.memory_space<vmem>>, vector<16xi32>,
      %add3A_14 = arith.constant 1000 : i32
      %add3A_15 = vector.broadcast %add3A_14 : i32 to vector<16xi32>
      %add3A_16 = arith.addi %get3A_4, %add3A_15 : vector<16xi32>
      %swap3A_17 = arith.constant 64 : index
      %swap3A_18 = tpu.vector_load %arg6[%swap3A_17] {strides = array<i32>} : memref<96xi32, #tpu.memory_space<vmem>>, vector<16xi32>,
      %swap3A_19 = vector.shape_cast %swap3A_18 : vector<16xi32> to vector<16xi32>
      %swap3A_20 = vector.shape_cast %add3A_16 : vector<16xi32> to vector<16xi32>
      tpu.vector_store %arg6[%swap3A_17], %swap3A_20 {strides = array<i32>} : memref<96xi32, #tpu.memory_space<vmem>>, vector<16xi32>,
      %get3A_21 = arith.constant 16 : index
      %get3A_22 = tpu.vector_load %arg5[%get3A_21] {strides = array<i32>} : memref<32xi32, #tpu.memory_space<vmem>>, vector<16xi32>,
      %get3A_23 = vector.shape_cast %get3A_22 : vector<16xi32> to vector<16xi32>
      %swap3A_24 = arith.constant 16 : index
      %swap3A_25 = tpu.vector_load %arg6[%swap3A_24] {strides = array<i32>} : memref<96xi32, #tpu.memory_space<vmem>>, vector<16xi32>,
      %swap3A_26 = vector.shape_cast %swap3A_25 : vector<16xi32> to vector<16xi32>
      %swap3A_27 = vector.shape_cast %get3A_23 : vector<16xi32> to vector<16xi32>
      tpu.vector_store %arg6[%swap3A_24], %swap3A_27 {strides = array<i32>} : memref<96xi32, #tpu.memory_space<vmem>>, vector<16xi32>,
      %sub3A_28 = arith.constant 1 : i32
      %sub3A_29 = vector.broadcast %sub3A_28 : i32 to vector<16xi32>
      %sub3A_30 = arith.subi %get3A_23, %sub3A_29 : vector<16xi32>
      %swap3A_31 = arith.constant 48 : index
      %swap3A_32 = tpu.vector_load %arg6[%swap3A_31] {strides = array<i32>} : memref<96xi32, #tpu.memory_space<vmem>>, vector<16xi32>,
      %swap3A_33 = vector.shape_cast %swap3A_32 : vector<16xi32> to vector<16xi32>
      %swap3A_34 = vector.shape_cast %sub3A_30 : vector<16xi32> to vector<16xi32>
      tpu.vector_store %arg6[%swap3A_31], %swap3A_34 {strides = array<i32>} : memref<96xi32, #tpu.memory_space<vmem>>, vector<16xi32>,
      %add3A_35 = arith.constant 1000 : i32
      %add3A_36 = vector.broadcast %add3A_35 : i32 to vector<16xi32>
      %add3A_37 = arith.addi %get3A_23, %add3A_36 : vector<16xi32>
      %swap3A_38 = arith.constant 80 : index
      %swap3A_39 = tpu.vector_load %arg6[%swap3A_38] {strides = array<i32>} : memref<96xi32, #tpu.memory_space<vmem>>, vector<16xi32>,
      %swap3A_40 = vector.shape_cast %swap3A_39 : vector<16xi32> to vector<16xi32>
      %swap3A_41 = vector.shape_cast %add3A_37 : vector<16xi32> to vector<16xi32>
      tpu.vector_store %arg6[%swap3A_38], %swap3A_41 {strides = array<i32>} : memref<96xi32, #tpu.memory_space<vmem>>, vector<16xi32>,
      %dma_start3A = arith.constant 0 : i32
      %dma_start3A_42 = arith.constant 0 : i32
      %dma_start3A_43 = tpu.memref_slice %arg2[%dma_start3A, %dma_start3A_42] : memref<2001x128xf32, #tpu.memory_space<hbm>> -> memref<2001x128xf32, #tpu.memory_space<hbm>>
      tpu.enqueue_indirect_dma source(%dma_start3A_43 : memref<2001x128xf32, #tpu.memory_space<hbm>>) target(%arg7 : memref<96x128xf32, #tpu.memory_space<vmem>>) offsets(%arg6 : memref<96xi32, #tpu.memory_space<vmem>>) semaphore(%arg8 : memref<!tpu.dma_semaphore, #tpu.memory_space<semaphore_mem>>)
      %dma_wait3A = arith.constant 0 : i32
      %dma_wait3A_44 = arith.constant 0 : i32
      %dma_wait3A_45 = tpu.memref_slice %arg2[%dma_wait3A, %dma_wait3A_44] : memref<2001x128xf32, #tpu.memory_space<hbm>> -> memref<2001x128xf32, #tpu.memory_space<hbm>>
      tpu.wait_indirect_dma semaphore(%arg8 : memref<!tpu.dma_semaphore, #tpu.memory_space<semaphore_mem>>) src(%dma_wait3A_45 : memref<2001x128xf32, #tpu.memory_space<hbm>>) dst(%arg7 : memref<96x128xf32, #tpu.memory_space<vmem>>)
      "tpu.region"() ({
        %run_scoped3A = tpu.sem_alloc : memref<!tpu.dma_semaphore, #tpu.memory_space<semaphore_mem>>
        tpu.enqueue_dma source(%arg7 : memref<96x128xf32, #tpu.memory_space<vmem>>) target(%arg4 : memref<96x128xf32, #tpu.memory_space<hbm>>) target_semaphore(%run_scoped3A : memref<!tpu.dma_semaphore, #tpu.memory_space<semaphore_mem>>)
        tpu.wait_dma2 semaphore(%run_scoped3A : memref<!tpu.dma_semaphore, #tpu.memory_space<semaphore_mem>>) src(%arg7 : memref<96x128xf32, #tpu.memory_space<vmem>>) dst(%arg4 : memref<96x128xf32, #tpu.memory_space<hbm>>)
        tpu.yield
      }) : () -> ()
    } else {
    }
    return
  }
}

module attributes {stable_mosaic.version = 14 : i64} {
  func.func @_body(%arg0: i32, %arg1: i32, %arg2: memref<1x32x512xi32, #tpu.memory_space<vmem>>, %arg3: memref<1x1x512xi32, #tpu.memory_space<vmem>>, %arg4: memref<32x9xf32, #tpu.memory_space<smem>>, %arg5: memref<32x9xf32, #tpu.memory_space<smem>>, %arg6: memref<16x128xf32, #tpu.memory_space<vmem>>) attributes {dimension_semantics = [#tpu.dimension_semantics<arbitrary>, #tpu.dimension_semantics<arbitrary>], iteration_bounds = array<i64: 32, 4>, scalar_prefetch = 0 : i64, scratch_operands = 0 : i64, tpu.core_type = #tpu.core_type<tc>, window_params = [{transform_indices = @transform_0, window_bounds = array<i64: 1, 32, 512>}, {transform_indices = @transform_1, window_bounds = array<i64: 1, 1, 512>}, {transform_indices = @transform_2, window_bounds = array<i64: 32, 9>}, {transform_indices = @transform_3, window_bounds = array<i64: 32, 9>}, {pipeline_mode = #tpu.pipeline_mode<synchronous>, transform_indices = @transform_4, window_bounds = array<i64: 16, 128>}]} {
    %eq3A = arith.constant 0 : i32
    %eq3A_0 = arith.cmpi eq, %arg0, %eq3A : i32
    %eq3A_1 = arith.constant 0 : i32
    %eq3A_2 = arith.cmpi eq, %arg1, %eq3A_1 : i32
    %and3A = arith.andi %eq3A_0, %eq3A_2 : i1
    %convert_element_type3A = arith.extui %and3A : i1 to i32
    %cond3A = arith.constant 0 : i32
    %cond3A_3 = arith.cmpi ne, %convert_element_type3A, %cond3A : i32
    scf.if %cond3A_3 {
      %broadcast_in_dim3A_907 = arith.constant 0.000000e+00 : f32
      %broadcast_in_dim3A_908 = vector.broadcast %broadcast_in_dim3A_907 : f32 to vector<16x128xf32>
      %swap3A_909 = arith.constant 0 : index
      %swap3A_910 = arith.constant 0 : index
      %swap3A_911 = vector.load %arg6[%swap3A_909, %swap3A_910] : memref<16x128xf32, #tpu.memory_space<vmem>>, vector<16x128xf32>
      tpu.vector_store %arg6[%swap3A_909, %swap3A_910], %broadcast_in_dim3A_908 {strides = array<i32>} : memref<16x128xf32, #tpu.memory_space<vmem>>, vector<16x128xf32>,
    } else {
    }
    %get3A = arith.constant 0 : index
    %get3A_4 = arith.constant 0 : index
    %get3A_5 = arith.constant 0 : index
    %get3A_6 = vector.load %arg3[%get3A, %get3A_4, %get3A_5] : memref<1x1x512xi32, #tpu.memory_space<vmem>>, vector<1x1x512xi32>
    %get3A_7 = vector.shape_cast %get3A_6 : vector<1x1x512xi32> to vector<1x512xi32>
    %get3A_8 = arith.constant dense<0> : vector<1x512xi32>
    %get3A_9 = arith.cmpi ne, %get3A_7, %get3A_8 : vector<1x512xi32>
    %convert_element_type3A_10 = arith.extui %get3A_9 : vector<1x512xi1> to vector<1x512xi32>
    %convert_element_type3A_11 = arith.sitofp %convert_element_type3A_10 : vector<1x512xi32> to vector<1x512xf32>
    %eq3A_12 = arith.constant 0 : i32
    %eq3A_13 = arith.cmpi eq, %arg1, %eq3A_12 : i32
    %convert_element_type3A_14 = arith.extui %eq3A_13 : i1 to i32
    %cond3A_15 = arith.constant 0 : i32
    %cond3A_16 = arith.cmpi ne, %convert_element_type3A_14, %cond3A_15 : i32
    scf.if %cond3A_16 {
      %slice3A_907 = vector.extract_strided_slice %convert_element_type3A_11 {offsets = [0, 0], sizes = [1, 128], strides = [1, 1]} : vector<1x512xf32> to vector<1x128xf32>
      %slice3A_908 = vector.extract_strided_slice %convert_element_type3A_11 {offsets = [0, 128], sizes = [1, 128], strides = [1, 1]} : vector<1x512xf32> to vector<1x128xf32>
      %add3A_909 = arith.addf %slice3A_907, %slice3A_908 : vector<1x128xf32>
      %slice3A_910 = vector.extract_strided_slice %convert_element_type3A_11 {offsets = [0, 256], sizes = [1, 128], strides = [1, 1]} : vector<1x512xf32> to vector<1x128xf32>
      %add3A_911 = arith.addf %add3A_909, %slice3A_910 : vector<1x128xf32>
      %slice3A_912 = vector.extract_strided_slice %convert_element_type3A_11 {offsets = [0, 384], sizes = [1, 128], strides = [1, 1]} : vector<1x512xf32> to vector<1x128xf32>
      %add3A_913 = arith.addf %add3A_911, %slice3A_912 : vector<1x128xf32>
      %get3A_914 = arith.constant 8 : index
      %get3A_915 = arith.constant 0 : index
      %get3A_916 = vector.load %arg6[%get3A_914, %get3A_915] : memref<16x128xf32, #tpu.memory_space<vmem>>, vector<1x128xf32>
      %add3A_917 = arith.addf %get3A_916, %add3A_913 : vector<1x128xf32>
      %swap3A_918 = arith.constant 8 : index
      %swap3A_919 = arith.constant 0 : index
      %swap3A_920 = vector.load %arg6[%swap3A_918, %swap3A_919] : memref<16x128xf32, #tpu.memory_space<vmem>>, vector<1x128xf32>
      tpu.vector_store %arg6[%swap3A_918, %swap3A_919], %add3A_917 {strides = array<i32>} : memref<16x128xf32, #tpu.memory_space<vmem>>, vector<1x128xf32>,
    } else {
    }
    %get3A_17 = arith.constant 0 : index
    %get3A_18 = arith.constant 0 : index
    %get3A_19 = arith.constant 0 : index
    %get3A_20 = vector.load %arg2[%get3A_17, %get3A_18, %get3A_19] : memref<1x32x512xi32, #tpu.memory_space<vmem>>, vector<1x32x512xi32>
    %get3A_21 = vector.shape_cast %get3A_20 : vector<1x32x512xi32> to vector<32x512xi32>
    %eq3A_22 = arith.constant 0 : i32
    %eq3A_23 = vector.broadcast %eq3A_22 : i32 to vector<32x512xi32>
    %eq3A_24 = arith.cmpi eq, %get3A_21, %eq3A_23 : vector<32x512xi32>
    %eq3A_25 = arith.constant 1 : i32
    %eq3A_26 = vector.broadcast %eq3A_25 : i32 to vector<32x512xi32>
    %eq3A_27 = arith.cmpi eq, %get3A_21, %eq3A_26 : vector<32x512xi32>
    %mul3A = arith.constant 65536 : i32
    %mul3A_28 = arith.muli %arg0, %mul3A : i32
    %mul3A_29 = arith.constant 16384 : i32
    %mul3A_30 = arith.muli %arg1, %mul3A_29 : i32
    %add3A = arith.addi %mul3A_28, %mul3A_30 : i32
    %iota3A = tpu.iota {dimensions = array<i32: 0>} : vector<32x512xi32>
    %iota3A_31 = tpu.iota {dimensions = array<i32: 1>} : vector<32x512xi32>
    %mul3A_32 = arith.constant 512 : i32
    %mul3A_33 = vector.broadcast %mul3A_32 : i32 to vector<32x512xi32>
    %mul3A_34 = arith.muli %iota3A, %mul3A_33 : vector<32x512xi32>
    %add3A_35 = vector.broadcast %add3A : i32 to vector<32x512xi32>
    %add3A_36 = arith.addi %add3A_35, %mul3A_34 : vector<32x512xi32>
    %add3A_37 = arith.addi %add3A_36, %iota3A_31 : vector<32x512xi32>
    %mul3A_38 = arith.constant 3 : i32
    %mul3A_39 = vector.broadcast %mul3A_38 : i32 to vector<32x512xi32>
    %mul3A_40 = arith.muli %add3A_37, %mul3A_39 : vector<32x512xi32>
    %add3A_41 = arith.constant 0 : i32
    %add3A_42 = vector.broadcast %add3A_41 : i32 to vector<32x512xi32>
    %add3A_43 = arith.addi %mul3A_40, %add3A_42 : vector<32x512xi32>
    %xor3A = arith.constant 0 : i32
    %xor3A_44 = arith.constant 42 : i32
    %xor3A_45 = arith.xori %xor3A, %xor3A_44 : i32
    %xor3A_46 = arith.constant 466688986 : i32
    %xor3A_47 = arith.xori %xor3A_45, %xor3A_46 : i32
    %add3A_48 = arith.constant 42 : i32
    %add3A_49 = vector.broadcast %add3A_48 : i32 to vector<32x512xi32>
    %add3A_50 = arith.addi %add3A_43, %add3A_49 : vector<32x512xi32>
    %shift_left3A = arith.constant 13 : i32
    %shift_left3A_51 = vector.broadcast %shift_left3A : i32 to vector<32x512xi32>
    %shift_left3A_52 = arith.shli %add3A_50, %shift_left3A_51 : vector<32x512xi32>
    %shift_right_logical3A = arith.constant 19 : i32
    %shift_right_logical3A_53 = vector.broadcast %shift_right_logical3A : i32 to vector<32x512xi32>
    %shift_right_logical3A_54 = arith.shrui %add3A_50, %shift_right_logical3A_53 : vector<32x512xi32>
    %or3A = arith.ori %shift_left3A_52, %shift_right_logical3A_54 : vector<32x512xi32>
    %xor3A_55 = arith.xori %add3A_50, %or3A : vector<32x512xi32>
    %add3A_56 = arith.addi %add3A_50, %xor3A_55 : vector<32x512xi32>
    %shift_left3A_57 = arith.constant 15 : i32
    %shift_left3A_58 = vector.broadcast %shift_left3A_57 : i32 to vector<32x512xi32>
    %shift_left3A_59 = arith.shli %xor3A_55, %shift_left3A_58 : vector<32x512xi32>
    %shift_right_logical3A_60 = arith.constant 17 : i32
    %shift_right_logical3A_61 = vector.broadcast %shift_right_logical3A_60 : i32 to vector<32x512xi32>
    %shift_right_logical3A_62 = arith.shrui %xor3A_55, %shift_right_logical3A_61 : vector<32x512xi32>
    %or3A_63 = arith.ori %shift_left3A_59, %shift_right_logical3A_62 : vector<32x512xi32>
    %xor3A_64 = arith.xori %add3A_56, %or3A_63 : vector<32x512xi32>
    %add3A_65 = arith.addi %add3A_56, %xor3A_64 : vector<32x512xi32>
    %shift_left3A_66 = arith.constant 26 : i32
    %shift_left3A_67 = vector.broadcast %shift_left3A_66 : i32 to vector<32x512xi32>
    %shift_left3A_68 = arith.shli %xor3A_64, %shift_left3A_67 : vector<32x512xi32>
    %shift_right_logical3A_69 = arith.constant 6 : i32
    %shift_right_logical3A_70 = vector.broadcast %shift_right_logical3A_69 : i32 to vector<32x512xi32>
    %shift_right_logical3A_71 = arith.shrui %xor3A_64, %shift_right_logical3A_70 : vector<32x512xi32>
    %or3A_72 = arith.ori %shift_left3A_68, %shift_right_logical3A_71 : vector<32x512xi32>
    %xor3A_73 = arith.xori %add3A_65, %or3A_72 : vector<32x512xi32>
    %add3A_74 = arith.addi %add3A_65, %xor3A_73 : vector<32x512xi32>
    %shift_left3A_75 = arith.constant 6 : i32
    %shift_left3A_76 = vector.broadcast %shift_left3A_75 : i32 to vector<32x512xi32>
    %shift_left3A_77 = arith.shli %xor3A_73, %shift_left3A_76 : vector<32x512xi32>
    %shift_right_logical3A_78 = arith.constant 26 : i32
    %shift_right_logical3A_79 = vector.broadcast %shift_right_logical3A_78 : i32 to vector<32x512xi32>
    %shift_right_logical3A_80 = arith.shrui %xor3A_73, %shift_right_logical3A_79 : vector<32x512xi32>
    %or3A_81 = arith.ori %shift_left3A_77, %shift_right_logical3A_80 : vector<32x512xi32>
    %xor3A_82 = arith.xori %add3A_74, %or3A_81 : vector<32x512xi32>
    %add3A_83 = arith.constant 42 : i32
    %add3A_84 = vector.broadcast %add3A_83 : i32 to vector<32x512xi32>
    %add3A_85 = arith.addi %add3A_74, %add3A_84 : vector<32x512xi32>
    %add3A_86 = vector.broadcast %xor3A_47 : i32 to vector<32x512xi32>
    %add3A_87 = arith.addi %xor3A_82, %add3A_86 : vector<32x512xi32>
    %add3A_88 = arith.constant 1 : i32
    %add3A_89 = vector.broadcast %add3A_88 : i32 to vector<32x512xi32>
    %add3A_90 = arith.addi %add3A_87, %add3A_89 : vector<32x512xi32>
    %add3A_91 = arith.addi %add3A_85, %add3A_90 : vector<32x512xi32>
    %shift_left3A_92 = arith.constant 17 : i32
    %shift_left3A_93 = vector.broadcast %shift_left3A_92 : i32 to vector<32x512xi32>
    %shift_left3A_94 = arith.shli %add3A_90, %shift_left3A_93 : vector<32x512xi32>
    %shift_right_logical3A_95 = arith.constant 15 : i32
    %shift_right_logical3A_96 = vector.broadcast %shift_right_logical3A_95 : i32 to vector<32x512xi32>
    %shift_right_logical3A_97 = arith.shrui %add3A_90, %shift_right_logical3A_96 : vector<32x512xi32>
    %or3A_98 = arith.ori %shift_left3A_94, %shift_right_logical3A_97 : vector<32x512xi32>
    %xor3A_99 = arith.xori %add3A_91, %or3A_98 : vector<32x512xi32>
    %add3A_100 = arith.addi %add3A_91, %xor3A_99 : vector<32x512xi32>
    %shift_left3A_101 = arith.constant 29 : i32
    %shift_left3A_102 = vector.broadcast %shift_left3A_101 : i32 to vector<32x512xi32>
    %shift_left3A_103 = arith.shli %xor3A_99, %shift_left3A_102 : vector<32x512xi32>
    %shift_right_logical3A_104 = arith.constant 3 : i32
    %shift_right_logical3A_105 = vector.broadcast %shift_right_logical3A_104 : i32 to vector<32x512xi32>
    %shift_right_logical3A_106 = arith.shrui %xor3A_99, %shift_right_logical3A_105 : vector<32x512xi32>
    %or3A_107 = arith.ori %shift_left3A_103, %shift_right_logical3A_106 : vector<32x512xi32>
    %xor3A_108 = arith.xori %add3A_100, %or3A_107 : vector<32x512xi32>
    %add3A_109 = arith.addi %add3A_100, %xor3A_108 : vector<32x512xi32>
    %shift_left3A_110 = arith.constant 16 : i32
    %shift_left3A_111 = vector.broadcast %shift_left3A_110 : i32 to vector<32x512xi32>
    %shift_left3A_112 = arith.shli %xor3A_108, %shift_left3A_111 : vector<32x512xi32>
    %shift_right_logical3A_113 = arith.constant 16 : i32
    %shift_right_logical3A_114 = vector.broadcast %shift_right_logical3A_113 : i32 to vector<32x512xi32>
    %shift_right_logical3A_115 = arith.shrui %xor3A_108, %shift_right_logical3A_114 : vector<32x512xi32>
    %or3A_116 = arith.ori %shift_left3A_112, %shift_right_logical3A_115 : vector<32x512xi32>
    %xor3A_117 = arith.xori %add3A_109, %or3A_116 : vector<32x512xi32>
    %add3A_118 = arith.addi %add3A_109, %xor3A_117 : vector<32x512xi32>
    %shift_left3A_119 = arith.constant 24 : i32
    %shift_left3A_120 = vector.broadcast %shift_left3A_119 : i32 to vector<32x512xi32>
    %shift_left3A_121 = arith.shli %xor3A_117, %shift_left3A_120 : vector<32x512xi32>
    %shift_right_logical3A_122 = arith.constant 8 : i32
    %shift_right_logical3A_123 = vector.broadcast %shift_right_logical3A_122 : i32 to vector<32x512xi32>
    %shift_right_logical3A_124 = arith.shrui %xor3A_117, %shift_right_logical3A_123 : vector<32x512xi32>
    %or3A_125 = arith.ori %shift_left3A_121, %shift_right_logical3A_124 : vector<32x512xi32>
    %xor3A_126 = arith.xori %add3A_118, %or3A_125 : vector<32x512xi32>
    %add3A_127 = vector.broadcast %xor3A_47 : i32 to vector<32x512xi32>
    %add3A_128 = arith.addi %add3A_118, %add3A_127 : vector<32x512xi32>
    %add3A_129 = arith.constant 0 : i32
    %add3A_130 = vector.broadcast %add3A_129 : i32 to vector<32x512xi32>
    %add3A_131 = arith.addi %xor3A_126, %add3A_130 : vector<32x512xi32>
    %add3A_132 = arith.constant 2 : i32
    %add3A_133 = vector.broadcast %add3A_132 : i32 to vector<32x512xi32>
    %add3A_134 = arith.addi %add3A_131, %add3A_133 : vector<32x512xi32>
    %add3A_135 = arith.addi %add3A_128, %add3A_134 : vector<32x512xi32>
    %shift_left3A_136 = arith.constant 13 : i32
    %shift_left3A_137 = vector.broadcast %shift_left3A_136 : i32 to vector<32x512xi32>
    %shift_left3A_138 = arith.shli %add3A_134, %shift_left3A_137 : vector<32x512xi32>
    %shift_right_logical3A_139 = arith.constant 19 : i32
    %shift_right_logical3A_140 = vector.broadcast %shift_right_logical3A_139 : i32 to vector<32x512xi32>
    %shift_right_logical3A_141 = arith.shrui %add3A_134, %shift_right_logical3A_140 : vector<32x512xi32>
    %or3A_142 = arith.ori %shift_left3A_138, %shift_right_logical3A_141 : vector<32x512xi32>
    %xor3A_143 = arith.xori %add3A_135, %or3A_142 : vector<32x512xi32>
    %add3A_144 = arith.addi %add3A_135, %xor3A_143 : vector<32x512xi32>
    %shift_left3A_145 = arith.constant 15 : i32
    %shift_left3A_146 = vector.broadcast %shift_left3A_145 : i32 to vector<32x512xi32>
    %shift_left3A_147 = arith.shli %xor3A_143, %shift_left3A_146 : vector<32x512xi32>
    %shift_right_logical3A_148 = arith.constant 17 : i32
    %shift_right_logical3A_149 = vector.broadcast %shift_right_logical3A_148 : i32 to vector<32x512xi32>
    %shift_right_logical3A_150 = arith.shrui %xor3A_143, %shift_right_logical3A_149 : vector<32x512xi32>
    %or3A_151 = arith.ori %shift_left3A_147, %shift_right_logical3A_150 : vector<32x512xi32>
    %xor3A_152 = arith.xori %add3A_144, %or3A_151 : vector<32x512xi32>
    %add3A_153 = arith.addi %add3A_144, %xor3A_152 : vector<32x512xi32>
    %shift_left3A_154 = arith.constant 26 : i32
    %shift_left3A_155 = vector.broadcast %shift_left3A_154 : i32 to vector<32x512xi32>
    %shift_left3A_156 = arith.shli %xor3A_152, %shift_left3A_155 : vector<32x512xi32>
    %shift_right_logical3A_157 = arith.constant 6 : i32
    %shift_right_logical3A_158 = vector.broadcast %shift_right_logical3A_157 : i32 to vector<32x512xi32>
    %shift_right_logical3A_159 = arith.shrui %xor3A_152, %shift_right_logical3A_158 : vector<32x512xi32>
    %or3A_160 = arith.ori %shift_left3A_156, %shift_right_logical3A_159 : vector<32x512xi32>
    %xor3A_161 = arith.xori %add3A_153, %or3A_160 : vector<32x512xi32>
    %add3A_162 = arith.addi %add3A_153, %xor3A_161 : vector<32x512xi32>
    %shift_left3A_163 = arith.constant 6 : i32
    %shift_left3A_164 = vector.broadcast %shift_left3A_163 : i32 to vector<32x512xi32>
    %shift_left3A_165 = arith.shli %xor3A_161, %shift_left3A_164 : vector<32x512xi32>
    %shift_right_logical3A_166 = arith.constant 26 : i32
    %shift_right_logical3A_167 = vector.broadcast %shift_right_logical3A_166 : i32 to vector<32x512xi32>
    %shift_right_logical3A_168 = arith.shrui %xor3A_161, %shift_right_logical3A_167 : vector<32x512xi32>
    %or3A_169 = arith.ori %shift_left3A_165, %shift_right_logical3A_168 : vector<32x512xi32>
    %xor3A_170 = arith.xori %add3A_162, %or3A_169 : vector<32x512xi32>
    %add3A_171 = arith.constant 0 : i32
    %add3A_172 = vector.broadcast %add3A_171 : i32 to vector<32x512xi32>
    %add3A_173 = arith.addi %add3A_162, %add3A_172 : vector<32x512xi32>
    %add3A_174 = arith.constant 42 : i32
    %add3A_175 = vector.broadcast %add3A_174 : i32 to vector<32x512xi32>
    %add3A_176 = arith.addi %xor3A_170, %add3A_175 : vector<32x512xi32>
    %add3A_177 = arith.constant 3 : i32
    %add3A_178 = vector.broadcast %add3A_177 : i32 to vector<32x512xi32>
    %add3A_179 = arith.addi %add3A_176, %add3A_178 : vector<32x512xi32>
    %add3A_180 = arith.addi %add3A_173, %add3A_179 : vector<32x512xi32>
    %shift_left3A_181 = arith.constant 17 : i32
    %shift_left3A_182 = vector.broadcast %shift_left3A_181 : i32 to vector<32x512xi32>
    %shift_left3A_183 = arith.shli %add3A_179, %shift_left3A_182 : vector<32x512xi32>
    %shift_right_logical3A_184 = arith.constant 15 : i32
    %shift_right_logical3A_185 = vector.broadcast %shift_right_logical3A_184 : i32 to vector<32x512xi32>
    %shift_right_logical3A_186 = arith.shrui %add3A_179, %shift_right_logical3A_185 : vector<32x512xi32>
    %or3A_187 = arith.ori %shift_left3A_183, %shift_right_logical3A_186 : vector<32x512xi32>
    %xor3A_188 = arith.xori %add3A_180, %or3A_187 : vector<32x512xi32>
    %add3A_189 = arith.addi %add3A_180, %xor3A_188 : vector<32x512xi32>
    %shift_left3A_190 = arith.constant 29 : i32
    %shift_left3A_191 = vector.broadcast %shift_left3A_190 : i32 to vector<32x512xi32>
    %shift_left3A_192 = arith.shli %xor3A_188, %shift_left3A_191 : vector<32x512xi32>
    %shift_right_logical3A_193 = arith.constant 3 : i32
    %shift_right_logical3A_194 = vector.broadcast %shift_right_logical3A_193 : i32 to vector<32x512xi32>
    %shift_right_logical3A_195 = arith.shrui %xor3A_188, %shift_right_logical3A_194 : vector<32x512xi32>
    %or3A_196 = arith.ori %shift_left3A_192, %shift_right_logical3A_195 : vector<32x512xi32>
    %xor3A_197 = arith.xori %add3A_189, %or3A_196 : vector<32x512xi32>
    %add3A_198 = arith.addi %add3A_189, %xor3A_197 : vector<32x512xi32>
    %shift_left3A_199 = arith.constant 16 : i32
    %shift_left3A_200 = vector.broadcast %shift_left3A_199 : i32 to vector<32x512xi32>
    %shift_left3A_201 = arith.shli %xor3A_197, %shift_left3A_200 : vector<32x512xi32>
    %shift_right_logical3A_202 = arith.constant 16 : i32
    %shift_right_logical3A_203 = vector.broadcast %shift_right_logical3A_202 : i32 to vector<32x512xi32>
    %shift_right_logical3A_204 = arith.shrui %xor3A_197, %shift_right_logical3A_203 : vector<32x512xi32>
    %or3A_205 = arith.ori %shift_left3A_201, %shift_right_logical3A_204 : vector<32x512xi32>
    %xor3A_206 = arith.xori %add3A_198, %or3A_205 : vector<32x512xi32>
    %add3A_207 = arith.addi %add3A_198, %xor3A_206 : vector<32x512xi32>
    %shift_left3A_208 = arith.constant 24 : i32
    %shift_left3A_209 = vector.broadcast %shift_left3A_208 : i32 to vector<32x512xi32>
    %shift_left3A_210 = arith.shli %xor3A_206, %shift_left3A_209 : vector<32x512xi32>
    %shift_right_logical3A_211 = arith.constant 8 : i32
    %shift_right_logical3A_212 = vector.broadcast %shift_right_logical3A_211 : i32 to vector<32x512xi32>
    %shift_right_logical3A_213 = arith.shrui %xor3A_206, %shift_right_logical3A_212 : vector<32x512xi32>
    %or3A_214 = arith.ori %shift_left3A_210, %shift_right_logical3A_213 : vector<32x512xi32>
    %xor3A_215 = arith.xori %add3A_207, %or3A_214 : vector<32x512xi32>
    %add3A_216 = arith.constant 42 : i32
    %add3A_217 = vector.broadcast %add3A_216 : i32 to vector<32x512xi32>
    %add3A_218 = arith.addi %add3A_207, %add3A_217 : vector<32x512xi32>
    %add3A_219 = vector.broadcast %xor3A_47 : i32 to vector<32x512xi32>
    %add3A_220 = arith.addi %xor3A_215, %add3A_219 : vector<32x512xi32>
    %add3A_221 = arith.constant 4 : i32
    %add3A_222 = vector.broadcast %add3A_221 : i32 to vector<32x512xi32>
    %add3A_223 = arith.addi %add3A_220, %add3A_222 : vector<32x512xi32>
    %add3A_224 = arith.addi %add3A_218, %add3A_223 : vector<32x512xi32>
    %shift_left3A_225 = arith.constant 13 : i32
    %shift_left3A_226 = vector.broadcast %shift_left3A_225 : i32 to vector<32x512xi32>
    %shift_left3A_227 = arith.shli %add3A_223, %shift_left3A_226 : vector<32x512xi32>
    %shift_right_logical3A_228 = arith.constant 19 : i32
    %shift_right_logical3A_229 = vector.broadcast %shift_right_logical3A_228 : i32 to vector<32x512xi32>
    %shift_right_logical3A_230 = arith.shrui %add3A_223, %shift_right_logical3A_229 : vector<32x512xi32>
    %or3A_231 = arith.ori %shift_left3A_227, %shift_right_logical3A_230 : vector<32x512xi32>
    %xor3A_232 = arith.xori %add3A_224, %or3A_231 : vector<32x512xi32>
    %add3A_233 = arith.addi %add3A_224, %xor3A_232 : vector<32x512xi32>
    %shift_left3A_234 = arith.constant 15 : i32
    %shift_left3A_235 = vector.broadcast %shift_left3A_234 : i32 to vector<32x512xi32>
    %shift_left3A_236 = arith.shli %xor3A_232, %shift_left3A_235 : vector<32x512xi32>
    %shift_right_logical3A_237 = arith.constant 17 : i32
    %shift_right_logical3A_238 = vector.broadcast %shift_right_logical3A_237 : i32 to vector<32x512xi32>
    %shift_right_logical3A_239 = arith.shrui %xor3A_232, %shift_right_logical3A_238 : vector<32x512xi32>
    %or3A_240 = arith.ori %shift_left3A_236, %shift_right_logical3A_239 : vector<32x512xi32>
    %xor3A_241 = arith.xori %add3A_233, %or3A_240 : vector<32x512xi32>
    %add3A_242 = arith.addi %add3A_233, %xor3A_241 : vector<32x512xi32>
    %shift_left3A_243 = arith.constant 26 : i32
    %shift_left3A_244 = vector.broadcast %shift_left3A_243 : i32 to vector<32x512xi32>
    %shift_left3A_245 = arith.shli %xor3A_241, %shift_left3A_244 : vector<32x512xi32>
    %shift_right_logical3A_246 = arith.constant 6 : i32
    %shift_right_logical3A_247 = vector.broadcast %shift_right_logical3A_246 : i32 to vector<32x512xi32>
    %shift_right_logical3A_248 = arith.shrui %xor3A_241, %shift_right_logical3A_247 : vector<32x512xi32>
    %or3A_249 = arith.ori %shift_left3A_245, %shift_right_logical3A_248 : vector<32x512xi32>
    %xor3A_250 = arith.xori %add3A_242, %or3A_249 : vector<32x512xi32>
    %add3A_251 = arith.addi %add3A_242, %xor3A_250 : vector<32x512xi32>
    %shift_left3A_252 = arith.constant 6 : i32
    %shift_left3A_253 = vector.broadcast %shift_left3A_252 : i32 to vector<32x512xi32>
    %shift_left3A_254 = arith.shli %xor3A_250, %shift_left3A_253 : vector<32x512xi32>
    %shift_right_logical3A_255 = arith.constant 26 : i32
    %shift_right_logical3A_256 = vector.broadcast %shift_right_logical3A_255 : i32 to vector<32x512xi32>
    %shift_right_logical3A_257 = arith.shrui %xor3A_250, %shift_right_logical3A_256 : vector<32x512xi32>
    %or3A_258 = arith.ori %shift_left3A_254, %shift_right_logical3A_257 : vector<32x512xi32>
    %xor3A_259 = arith.xori %add3A_251, %or3A_258 : vector<32x512xi32>
    %add3A_260 = vector.broadcast %xor3A_47 : i32 to vector<32x512xi32>
    %add3A_261 = arith.addi %add3A_251, %add3A_260 : vector<32x512xi32>
    %add3A_262 = arith.constant 0 : i32
    %add3A_263 = vector.broadcast %add3A_262 : i32 to vector<32x512xi32>
    %add3A_264 = arith.addi %xor3A_259, %add3A_263 : vector<32x512xi32>
    %add3A_265 = arith.constant 5 : i32
    %add3A_266 = vector.broadcast %add3A_265 : i32 to vector<32x512xi32>
    %add3A_267 = arith.addi %add3A_264, %add3A_266 : vector<32x512xi32>
    %xor3A_268 = arith.xori %add3A_261, %add3A_267 : vector<32x512xi32>
    %shift_right_logical3A_269 = arith.constant 9 : i32
    %shift_right_logical3A_270 = vector.broadcast %shift_right_logical3A_269 : i32 to vector<32x512xi32>
    %shift_right_logical3A_271 = arith.shrui %xor3A_268, %shift_right_logical3A_270 : vector<32x512xi32>
    %or3A_272 = arith.constant 1065353216 : i32
    %or3A_273 = vector.broadcast %or3A_272 : i32 to vector<32x512xi32>
    %or3A_274 = arith.ori %shift_right_logical3A_271, %or3A_273 : vector<32x512xi32>
    %bitcast_convert_type3A = tpu.bitcast %or3A_274 : vector<32x512xi32> -> vector<32x512xf32>
    %sub3A = arith.constant 1.000000e+00 : f32
    %sub3A_275 = vector.broadcast %sub3A : f32 to vector<32x512xf32>
    %sub3A_276 = arith.subf %bitcast_convert_type3A, %sub3A_275 : vector<32x512xf32>
    %max3A = arith.constant 1.17549435E-38 : f32
    %max3A_277 = vector.broadcast %max3A : f32 to vector<32x512xf32>
    %max3A_278 = arith.maximumf %max3A_277, %sub3A_276 : vector<32x512xf32>
    %log3A = math.log %max3A_278 : vector<32x512xf32>
    %neg3A = arith.constant 0.000000e+00 : f32
    %neg3A_279 = vector.broadcast %neg3A : f32 to vector<32x512xf32>
    %neg3A_280 = arith.subf %neg3A_279, %log3A : vector<32x512xf32>
    %log3A_281 = math.log %neg3A_280 : vector<32x512xf32>
    %neg3A_282 = arith.constant 0.000000e+00 : f32
    %neg3A_283 = vector.broadcast %neg3A_282 : f32 to vector<32x512xf32>
    %neg3A_284 = arith.subf %neg3A_283, %log3A_281 : vector<32x512xf32>
    %get3A_285 = arith.index_cast %arg0 : i32 to index
    %get3A_286 = arith.constant 0 : index
    %get3A_287 = memref.load %arg4[%get3A_285, %get3A_286] : memref<32x9xf32, #tpu.memory_space<smem>>
    %get3A_288 = arith.index_cast %arg0 : i32 to index
    %get3A_289 = arith.constant 3 : index
    %get3A_290 = memref.load %arg4[%get3A_288, %get3A_289] : memref<32x9xf32, #tpu.memory_space<smem>>
    %get3A_291 = arith.index_cast %arg0 : i32 to index
    %get3A_292 = arith.constant 6 : index
    %get3A_293 = memref.load %arg4[%get3A_291, %get3A_292] : memref<32x9xf32, #tpu.memory_space<smem>>
    %broadcast_in_dim3A = vector.broadcast %get3A_290 : f32 to vector<32x512xf32>
    %broadcast_in_dim3A_294 = vector.broadcast %get3A_293 : f32 to vector<32x512xf32>
    %select_n3A = arith.select %eq3A_27, %broadcast_in_dim3A, %broadcast_in_dim3A_294 : vector<32x512xi1>, vector<32x512xf32>
    %broadcast_in_dim3A_295 = vector.broadcast %get3A_287 : f32 to vector<32x512xf32>
    %select_n3A_296 = arith.select %eq3A_24, %broadcast_in_dim3A_295, %select_n3A : vector<32x512xi1>, vector<32x512xf32>
    %add3A_297 = arith.addf %neg3A_284, %select_n3A_296 : vector<32x512xf32>
    %mul3A_298 = arith.constant 3 : i32
    %mul3A_299 = vector.broadcast %mul3A_298 : i32 to vector<32x512xi32>
    %mul3A_300 = arith.muli %add3A_37, %mul3A_299 : vector<32x512xi32>
    %add3A_301 = arith.constant 1 : i32
    %add3A_302 = vector.broadcast %add3A_301 : i32 to vector<32x512xi32>
    %add3A_303 = arith.addi %mul3A_300, %add3A_302 : vector<32x512xi32>
    %xor3A_304 = arith.constant 0 : i32
    %xor3A_305 = arith.constant 42 : i32
    %xor3A_306 = arith.xori %xor3A_304, %xor3A_305 : i32
    %xor3A_307 = arith.constant 466688986 : i32
    %xor3A_308 = arith.xori %xor3A_306, %xor3A_307 : i32
    %add3A_309 = arith.constant 42 : i32
    %add3A_310 = vector.broadcast %add3A_309 : i32 to vector<32x512xi32>
    %add3A_311 = arith.addi %add3A_303, %add3A_310 : vector<32x512xi32>
    %shift_left3A_312 = arith.constant 13 : i32
    %shift_left3A_313 = vector.broadcast %shift_left3A_312 : i32 to vector<32x512xi32>
    %shift_left3A_314 = arith.shli %add3A_311, %shift_left3A_313 : vector<32x512xi32>
    %shift_right_logical3A_315 = arith.constant 19 : i32
    %shift_right_logical3A_316 = vector.broadcast %shift_right_logical3A_315 : i32 to vector<32x512xi32>
    %shift_right_logical3A_317 = arith.shrui %add3A_311, %shift_right_logical3A_316 : vector<32x512xi32>
    %or3A_318 = arith.ori %shift_left3A_314, %shift_right_logical3A_317 : vector<32x512xi32>
    %xor3A_319 = arith.xori %add3A_311, %or3A_318 : vector<32x512xi32>
    %add3A_320 = arith.addi %add3A_311, %xor3A_319 : vector<32x512xi32>
    %shift_left3A_321 = arith.constant 15 : i32
    %shift_left3A_322 = vector.broadcast %shift_left3A_321 : i32 to vector<32x512xi32>
    %shift_left3A_323 = arith.shli %xor3A_319, %shift_left3A_322 : vector<32x512xi32>
    %shift_right_logical3A_324 = arith.constant 17 : i32
    %shift_right_logical3A_325 = vector.broadcast %shift_right_logical3A_324 : i32 to vector<32x512xi32>
    %shift_right_logical3A_326 = arith.shrui %xor3A_319, %shift_right_logical3A_325 : vector<32x512xi32>
    %or3A_327 = arith.ori %shift_left3A_323, %shift_right_logical3A_326 : vector<32x512xi32>
    %xor3A_328 = arith.xori %add3A_320, %or3A_327 : vector<32x512xi32>
    %add3A_329 = arith.addi %add3A_320, %xor3A_328 : vector<32x512xi32>
    %shift_left3A_330 = arith.constant 26 : i32
    %shift_left3A_331 = vector.broadcast %shift_left3A_330 : i32 to vector<32x512xi32>
    %shift_left3A_332 = arith.shli %xor3A_328, %shift_left3A_331 : vector<32x512xi32>
    %shift_right_logical3A_333 = arith.constant 6 : i32
    %shift_right_logical3A_334 = vector.broadcast %shift_right_logical3A_333 : i32 to vector<32x512xi32>
    %shift_right_logical3A_335 = arith.shrui %xor3A_328, %shift_right_logical3A_334 : vector<32x512xi32>
    %or3A_336 = arith.ori %shift_left3A_332, %shift_right_logical3A_335 : vector<32x512xi32>
    %xor3A_337 = arith.xori %add3A_329, %or3A_336 : vector<32x512xi32>
    %add3A_338 = arith.addi %add3A_329, %xor3A_337 : vector<32x512xi32>
    %shift_left3A_339 = arith.constant 6 : i32
    %shift_left3A_340 = vector.broadcast %shift_left3A_339 : i32 to vector<32x512xi32>
    %shift_left3A_341 = arith.shli %xor3A_337, %shift_left3A_340 : vector<32x512xi32>
    %shift_right_logical3A_342 = arith.constant 26 : i32
    %shift_right_logical3A_343 = vector.broadcast %shift_right_logical3A_342 : i32 to vector<32x512xi32>
    %shift_right_logical3A_344 = arith.shrui %xor3A_337, %shift_right_logical3A_343 : vector<32x512xi32>
    %or3A_345 = arith.ori %shift_left3A_341, %shift_right_logical3A_344 : vector<32x512xi32>
    %xor3A_346 = arith.xori %add3A_338, %or3A_345 : vector<32x512xi32>
    %add3A_347 = arith.constant 42 : i32
    %add3A_348 = vector.broadcast %add3A_347 : i32 to vector<32x512xi32>
    %add3A_349 = arith.addi %add3A_338, %add3A_348 : vector<32x512xi32>
    %add3A_350 = vector.broadcast %xor3A_308 : i32 to vector<32x512xi32>
    %add3A_351 = arith.addi %xor3A_346, %add3A_350 : vector<32x512xi32>
    %add3A_352 = arith.constant 1 : i32
    %add3A_353 = vector.broadcast %add3A_352 : i32 to vector<32x512xi32>
    %add3A_354 = arith.addi %add3A_351, %add3A_353 : vector<32x512xi32>
    %add3A_355 = arith.addi %add3A_349, %add3A_354 : vector<32x512xi32>
    %shift_left3A_356 = arith.constant 17 : i32
    %shift_left3A_357 = vector.broadcast %shift_left3A_356 : i32 to vector<32x512xi32>
    %shift_left3A_358 = arith.shli %add3A_354, %shift_left3A_357 : vector<32x512xi32>
    %shift_right_logical3A_359 = arith.constant 15 : i32
    %shift_right_logical3A_360 = vector.broadcast %shift_right_logical3A_359 : i32 to vector<32x512xi32>
    %shift_right_logical3A_361 = arith.shrui %add3A_354, %shift_right_logical3A_360 : vector<32x512xi32>
    %or3A_362 = arith.ori %shift_left3A_358, %shift_right_logical3A_361 : vector<32x512xi32>
    %xor3A_363 = arith.xori %add3A_355, %or3A_362 : vector<32x512xi32>
    %add3A_364 = arith.addi %add3A_355, %xor3A_363 : vector<32x512xi32>
    %shift_left3A_365 = arith.constant 29 : i32
    %shift_left3A_366 = vector.broadcast %shift_left3A_365 : i32 to vector<32x512xi32>
    %shift_left3A_367 = arith.shli %xor3A_363, %shift_left3A_366 : vector<32x512xi32>
    %shift_right_logical3A_368 = arith.constant 3 : i32
    %shift_right_logical3A_369 = vector.broadcast %shift_right_logical3A_368 : i32 to vector<32x512xi32>
    %shift_right_logical3A_370 = arith.shrui %xor3A_363, %shift_right_logical3A_369 : vector<32x512xi32>
    %or3A_371 = arith.ori %shift_left3A_367, %shift_right_logical3A_370 : vector<32x512xi32>
    %xor3A_372 = arith.xori %add3A_364, %or3A_371 : vector<32x512xi32>
    %add3A_373 = arith.addi %add3A_364, %xor3A_372 : vector<32x512xi32>
    %shift_left3A_374 = arith.constant 16 : i32
    %shift_left3A_375 = vector.broadcast %shift_left3A_374 : i32 to vector<32x512xi32>
    %shift_left3A_376 = arith.shli %xor3A_372, %shift_left3A_375 : vector<32x512xi32>
    %shift_right_logical3A_377 = arith.constant 16 : i32
    %shift_right_logical3A_378 = vector.broadcast %shift_right_logical3A_377 : i32 to vector<32x512xi32>
    %shift_right_logical3A_379 = arith.shrui %xor3A_372, %shift_right_logical3A_378 : vector<32x512xi32>
    %or3A_380 = arith.ori %shift_left3A_376, %shift_right_logical3A_379 : vector<32x512xi32>
    %xor3A_381 = arith.xori %add3A_373, %or3A_380 : vector<32x512xi32>
    %add3A_382 = arith.addi %add3A_373, %xor3A_381 : vector<32x512xi32>
    %shift_left3A_383 = arith.constant 24 : i32
    %shift_left3A_384 = vector.broadcast %shift_left3A_383 : i32 to vector<32x512xi32>
    %shift_left3A_385 = arith.shli %xor3A_381, %shift_left3A_384 : vector<32x512xi32>
    %shift_right_logical3A_386 = arith.constant 8 : i32
    %shift_right_logical3A_387 = vector.broadcast %shift_right_logical3A_386 : i32 to vector<32x512xi32>
    %shift_right_logical3A_388 = arith.shrui %xor3A_381, %shift_right_logical3A_387 : vector<32x512xi32>
    %or3A_389 = arith.ori %shift_left3A_385, %shift_right_logical3A_388 : vector<32x512xi32>
    %xor3A_390 = arith.xori %add3A_382, %or3A_389 : vector<32x512xi32>
    %add3A_391 = vector.broadcast %xor3A_308 : i32 to vector<32x512xi32>
    %add3A_392 = arith.addi %add3A_382, %add3A_391 : vector<32x512xi32>
    %add3A_393 = arith.constant 0 : i32
    %add3A_394 = vector.broadcast %add3A_393 : i32 to vector<32x512xi32>
    %add3A_395 = arith.addi %xor3A_390, %add3A_394 : vector<32x512xi32>
    %add3A_396 = arith.constant 2 : i32
    %add3A_397 = vector.broadcast %add3A_396 : i32 to vector<32x512xi32>
    %add3A_398 = arith.addi %add3A_395, %add3A_397 : vector<32x512xi32>
    %add3A_399 = arith.addi %add3A_392, %add3A_398 : vector<32x512xi32>
    %shift_left3A_400 = arith.constant 13 : i32
    %shift_left3A_401 = vector.broadcast %shift_left3A_400 : i32 to vector<32x512xi32>
    %shift_left3A_402 = arith.shli %add3A_398, %shift_left3A_401 : vector<32x512xi32>
    %shift_right_logical3A_403 = arith.constant 19 : i32
    %shift_right_logical3A_404 = vector.broadcast %shift_right_logical3A_403 : i32 to vector<32x512xi32>
    %shift_right_logical3A_405 = arith.shrui %add3A_398, %shift_right_logical3A_404 : vector<32x512xi32>
    %or3A_406 = arith.ori %shift_left3A_402, %shift_right_logical3A_405 : vector<32x512xi32>
    %xor3A_407 = arith.xori %add3A_399, %or3A_406 : vector<32x512xi32>
    %add3A_408 = arith.addi %add3A_399, %xor3A_407 : vector<32x512xi32>
    %shift_left3A_409 = arith.constant 15 : i32
    %shift_left3A_410 = vector.broadcast %shift_left3A_409 : i32 to vector<32x512xi32>
    %shift_left3A_411 = arith.shli %xor3A_407, %shift_left3A_410 : vector<32x512xi32>
    %shift_right_logical3A_412 = arith.constant 17 : i32
    %shift_right_logical3A_413 = vector.broadcast %shift_right_logical3A_412 : i32 to vector<32x512xi32>
    %shift_right_logical3A_414 = arith.shrui %xor3A_407, %shift_right_logical3A_413 : vector<32x512xi32>
    %or3A_415 = arith.ori %shift_left3A_411, %shift_right_logical3A_414 : vector<32x512xi32>
    %xor3A_416 = arith.xori %add3A_408, %or3A_415 : vector<32x512xi32>
    %add3A_417 = arith.addi %add3A_408, %xor3A_416 : vector<32x512xi32>
    %shift_left3A_418 = arith.constant 26 : i32
    %shift_left3A_419 = vector.broadcast %shift_left3A_418 : i32 to vector<32x512xi32>
    %shift_left3A_420 = arith.shli %xor3A_416, %shift_left3A_419 : vector<32x512xi32>
    %shift_right_logical3A_421 = arith.constant 6 : i32
    %shift_right_logical3A_422 = vector.broadcast %shift_right_logical3A_421 : i32 to vector<32x512xi32>
    %shift_right_logical3A_423 = arith.shrui %xor3A_416, %shift_right_logical3A_422 : vector<32x512xi32>
    %or3A_424 = arith.ori %shift_left3A_420, %shift_right_logical3A_423 : vector<32x512xi32>
    %xor3A_425 = arith.xori %add3A_417, %or3A_424 : vector<32x512xi32>
    %add3A_426 = arith.addi %add3A_417, %xor3A_425 : vector<32x512xi32>
    %shift_left3A_427 = arith.constant 6 : i32
    %shift_left3A_428 = vector.broadcast %shift_left3A_427 : i32 to vector<32x512xi32>
    %shift_left3A_429 = arith.shli %xor3A_425, %shift_left3A_428 : vector<32x512xi32>
    %shift_right_logical3A_430 = arith.constant 26 : i32
    %shift_right_logical3A_431 = vector.broadcast %shift_right_logical3A_430 : i32 to vector<32x512xi32>
    %shift_right_logical3A_432 = arith.shrui %xor3A_425, %shift_right_logical3A_431 : vector<32x512xi32>
    %or3A_433 = arith.ori %shift_left3A_429, %shift_right_logical3A_432 : vector<32x512xi32>
    %xor3A_434 = arith.xori %add3A_426, %or3A_433 : vector<32x512xi32>
    %add3A_435 = arith.constant 0 : i32
    %add3A_436 = vector.broadcast %add3A_435 : i32 to vector<32x512xi32>
    %add3A_437 = arith.addi %add3A_426, %add3A_436 : vector<32x512xi32>
    %add3A_438 = arith.constant 42 : i32
    %add3A_439 = vector.broadcast %add3A_438 : i32 to vector<32x512xi32>
    %add3A_440 = arith.addi %xor3A_434, %add3A_439 : vector<32x512xi32>
    %add3A_441 = arith.constant 3 : i32
    %add3A_442 = vector.broadcast %add3A_441 : i32 to vector<32x512xi32>
    %add3A_443 = arith.addi %add3A_440, %add3A_442 : vector<32x512xi32>
    %add3A_444 = arith.addi %add3A_437, %add3A_443 : vector<32x512xi32>
    %shift_left3A_445 = arith.constant 17 : i32
    %shift_left3A_446 = vector.broadcast %shift_left3A_445 : i32 to vector<32x512xi32>
    %shift_left3A_447 = arith.shli %add3A_443, %shift_left3A_446 : vector<32x512xi32>
    %shift_right_logical3A_448 = arith.constant 15 : i32
    %shift_right_logical3A_449 = vector.broadcast %shift_right_logical3A_448 : i32 to vector<32x512xi32>
    %shift_right_logical3A_450 = arith.shrui %add3A_443, %shift_right_logical3A_449 : vector<32x512xi32>
    %or3A_451 = arith.ori %shift_left3A_447, %shift_right_logical3A_450 : vector<32x512xi32>
    %xor3A_452 = arith.xori %add3A_444, %or3A_451 : vector<32x512xi32>
    %add3A_453 = arith.addi %add3A_444, %xor3A_452 : vector<32x512xi32>
    %shift_left3A_454 = arith.constant 29 : i32
    %shift_left3A_455 = vector.broadcast %shift_left3A_454 : i32 to vector<32x512xi32>
    %shift_left3A_456 = arith.shli %xor3A_452, %shift_left3A_455 : vector<32x512xi32>
    %shift_right_logical3A_457 = arith.constant 3 : i32
    %shift_right_logical3A_458 = vector.broadcast %shift_right_logical3A_457 : i32 to vector<32x512xi32>
    %shift_right_logical3A_459 = arith.shrui %xor3A_452, %shift_right_logical3A_458 : vector<32x512xi32>
    %or3A_460 = arith.ori %shift_left3A_456, %shift_right_logical3A_459 : vector<32x512xi32>
    %xor3A_461 = arith.xori %add3A_453, %or3A_460 : vector<32x512xi32>
    %add3A_462 = arith.addi %add3A_453, %xor3A_461 : vector<32x512xi32>
    %shift_left3A_463 = arith.constant 16 : i32
    %shift_left3A_464 = vector.broadcast %shift_left3A_463 : i32 to vector<32x512xi32>
    %shift_left3A_465 = arith.shli %xor3A_461, %shift_left3A_464 : vector<32x512xi32>
    %shift_right_logical3A_466 = arith.constant 16 : i32
    %shift_right_logical3A_467 = vector.broadcast %shift_right_logical3A_466 : i32 to vector<32x512xi32>
    %shift_right_logical3A_468 = arith.shrui %xor3A_461, %shift_right_logical3A_467 : vector<32x512xi32>
    %or3A_469 = arith.ori %shift_left3A_465, %shift_right_logical3A_468 : vector<32x512xi32>
    %xor3A_470 = arith.xori %add3A_462, %or3A_469 : vector<32x512xi32>
    %add3A_471 = arith.addi %add3A_462, %xor3A_470 : vector<32x512xi32>
    %shift_left3A_472 = arith.constant 24 : i32
    %shift_left3A_473 = vector.broadcast %shift_left3A_472 : i32 to vector<32x512xi32>
    %shift_left3A_474 = arith.shli %xor3A_470, %shift_left3A_473 : vector<32x512xi32>
    %shift_right_logical3A_475 = arith.constant 8 : i32
    %shift_right_logical3A_476 = vector.broadcast %shift_right_logical3A_475 : i32 to vector<32x512xi32>
    %shift_right_logical3A_477 = arith.shrui %xor3A_470, %shift_right_logical3A_476 : vector<32x512xi32>
    %or3A_478 = arith.ori %shift_left3A_474, %shift_right_logical3A_477 : vector<32x512xi32>
    %xor3A_479 = arith.xori %add3A_471, %or3A_478 : vector<32x512xi32>
    %add3A_480 = arith.constant 42 : i32
    %add3A_481 = vector.broadcast %add3A_480 : i32 to vector<32x512xi32>
    %add3A_482 = arith.addi %add3A_471, %add3A_481 : vector<32x512xi32>
    %add3A_483 = vector.broadcast %xor3A_308 : i32 to vector<32x512xi32>
    %add3A_484 = arith.addi %xor3A_479, %add3A_483 : vector<32x512xi32>
    %add3A_485 = arith.constant 4 : i32
    %add3A_486 = vector.broadcast %add3A_485 : i32 to vector<32x512xi32>
    %add3A_487 = arith.addi %add3A_484, %add3A_486 : vector<32x512xi32>
    %add3A_488 = arith.addi %add3A_482, %add3A_487 : vector<32x512xi32>
    %shift_left3A_489 = arith.constant 13 : i32
    %shift_left3A_490 = vector.broadcast %shift_left3A_489 : i32 to vector<32x512xi32>
    %shift_left3A_491 = arith.shli %add3A_487, %shift_left3A_490 : vector<32x512xi32>
    %shift_right_logical3A_492 = arith.constant 19 : i32
    %shift_right_logical3A_493 = vector.broadcast %shift_right_logical3A_492 : i32 to vector<32x512xi32>
    %shift_right_logical3A_494 = arith.shrui %add3A_487, %shift_right_logical3A_493 : vector<32x512xi32>
    %or3A_495 = arith.ori %shift_left3A_491, %shift_right_logical3A_494 : vector<32x512xi32>
    %xor3A_496 = arith.xori %add3A_488, %or3A_495 : vector<32x512xi32>
    %add3A_497 = arith.addi %add3A_488, %xor3A_496 : vector<32x512xi32>
    %shift_left3A_498 = arith.constant 15 : i32
    %shift_left3A_499 = vector.broadcast %shift_left3A_498 : i32 to vector<32x512xi32>
    %shift_left3A_500 = arith.shli %xor3A_496, %shift_left3A_499 : vector<32x512xi32>
    %shift_right_logical3A_501 = arith.constant 17 : i32
    %shift_right_logical3A_502 = vector.broadcast %shift_right_logical3A_501 : i32 to vector<32x512xi32>
    %shift_right_logical3A_503 = arith.shrui %xor3A_496, %shift_right_logical3A_502 : vector<32x512xi32>
    %or3A_504 = arith.ori %shift_left3A_500, %shift_right_logical3A_503 : vector<32x512xi32>
    %xor3A_505 = arith.xori %add3A_497, %or3A_504 : vector<32x512xi32>
    %add3A_506 = arith.addi %add3A_497, %xor3A_505 : vector<32x512xi32>
    %shift_left3A_507 = arith.constant 26 : i32
    %shift_left3A_508 = vector.broadcast %shift_left3A_507 : i32 to vector<32x512xi32>
    %shift_left3A_509 = arith.shli %xor3A_505, %shift_left3A_508 : vector<32x512xi32>
    %shift_right_logical3A_510 = arith.constant 6 : i32
    %shift_right_logical3A_511 = vector.broadcast %shift_right_logical3A_510 : i32 to vector<32x512xi32>
    %shift_right_logical3A_512 = arith.shrui %xor3A_505, %shift_right_logical3A_511 : vector<32x512xi32>
    %or3A_513 = arith.ori %shift_left3A_509, %shift_right_logical3A_512 : vector<32x512xi32>
    %xor3A_514 = arith.xori %add3A_506, %or3A_513 : vector<32x512xi32>
    %add3A_515 = arith.addi %add3A_506, %xor3A_514 : vector<32x512xi32>
    %shift_left3A_516 = arith.constant 6 : i32
    %shift_left3A_517 = vector.broadcast %shift_left3A_516 : i32 to vector<32x512xi32>
    %shift_left3A_518 = arith.shli %xor3A_514, %shift_left3A_517 : vector<32x512xi32>
    %shift_right_logical3A_519 = arith.constant 26 : i32
    %shift_right_logical3A_520 = vector.broadcast %shift_right_logical3A_519 : i32 to vector<32x512xi32>
    %shift_right_logical3A_521 = arith.shrui %xor3A_514, %shift_right_logical3A_520 : vector<32x512xi32>
    %or3A_522 = arith.ori %shift_left3A_518, %shift_right_logical3A_521 : vector<32x512xi32>
    %xor3A_523 = arith.xori %add3A_515, %or3A_522 : vector<32x512xi32>
    %add3A_524 = vector.broadcast %xor3A_308 : i32 to vector<32x512xi32>
    %add3A_525 = arith.addi %add3A_515, %add3A_524 : vector<32x512xi32>
    %add3A_526 = arith.constant 0 : i32
    %add3A_527 = vector.broadcast %add3A_526 : i32 to vector<32x512xi32>
    %add3A_528 = arith.addi %xor3A_523, %add3A_527 : vector<32x512xi32>
    %add3A_529 = arith.constant 5 : i32
    %add3A_530 = vector.broadcast %add3A_529 : i32 to vector<32x512xi32>
    %add3A_531 = arith.addi %add3A_528, %add3A_530 : vector<32x512xi32>
    %xor3A_532 = arith.xori %add3A_525, %add3A_531 : vector<32x512xi32>
    %shift_right_logical3A_533 = arith.constant 9 : i32
    %shift_right_logical3A_534 = vector.broadcast %shift_right_logical3A_533 : i32 to vector<32x512xi32>
    %shift_right_logical3A_535 = arith.shrui %xor3A_532, %shift_right_logical3A_534 : vector<32x512xi32>
    %or3A_536 = arith.constant 1065353216 : i32
    %or3A_537 = vector.broadcast %or3A_536 : i32 to vector<32x512xi32>
    %or3A_538 = arith.ori %shift_right_logical3A_535, %or3A_537 : vector<32x512xi32>
    %bitcast_convert_type3A_539 = tpu.bitcast %or3A_538 : vector<32x512xi32> -> vector<32x512xf32>
    %sub3A_540 = arith.constant 1.000000e+00 : f32
    %sub3A_541 = vector.broadcast %sub3A_540 : f32 to vector<32x512xf32>
    %sub3A_542 = arith.subf %bitcast_convert_type3A_539, %sub3A_541 : vector<32x512xf32>
    %max3A_543 = arith.constant 1.17549435E-38 : f32
    %max3A_544 = vector.broadcast %max3A_543 : f32 to vector<32x512xf32>
    %max3A_545 = arith.maximumf %max3A_544, %sub3A_542 : vector<32x512xf32>
    %log3A_546 = math.log %max3A_545 : vector<32x512xf32>
    %neg3A_547 = arith.constant 0.000000e+00 : f32
    %neg3A_548 = vector.broadcast %neg3A_547 : f32 to vector<32x512xf32>
    %neg3A_549 = arith.subf %neg3A_548, %log3A_546 : vector<32x512xf32>
    %log3A_550 = math.log %neg3A_549 : vector<32x512xf32>
    %neg3A_551 = arith.constant 0.000000e+00 : f32
    %neg3A_552 = vector.broadcast %neg3A_551 : f32 to vector<32x512xf32>
    %neg3A_553 = arith.subf %neg3A_552, %log3A_550 : vector<32x512xf32>
    %get3A_554 = arith.index_cast %arg0 : i32 to index
    %get3A_555 = arith.constant 1 : index
    %get3A_556 = memref.load %arg4[%get3A_554, %get3A_555] : memref<32x9xf32, #tpu.memory_space<smem>>
    %get3A_557 = arith.index_cast %arg0 : i32 to index
    %get3A_558 = arith.constant 4 : index
    %get3A_559 = memref.load %arg4[%get3A_557, %get3A_558] : memref<32x9xf32, #tpu.memory_space<smem>>
    %get3A_560 = arith.index_cast %arg0 : i32 to index
    %get3A_561 = arith.constant 7 : index
    %get3A_562 = memref.load %arg4[%get3A_560, %get3A_561] : memref<32x9xf32, #tpu.memory_space<smem>>
    %broadcast_in_dim3A_563 = vector.broadcast %get3A_559 : f32 to vector<32x512xf32>
    %broadcast_in_dim3A_564 = vector.broadcast %get3A_562 : f32 to vector<32x512xf32>
    %select_n3A_565 = arith.select %eq3A_27, %broadcast_in_dim3A_563, %broadcast_in_dim3A_564 : vector<32x512xi1>, vector<32x512xf32>
    %broadcast_in_dim3A_566 = vector.broadcast %get3A_556 : f32 to vector<32x512xf32>
    %select_n3A_567 = arith.select %eq3A_24, %broadcast_in_dim3A_566, %select_n3A_565 : vector<32x512xi1>, vector<32x512xf32>
    %add3A_568 = arith.addf %neg3A_553, %select_n3A_567 : vector<32x512xf32>
    %mul3A_569 = arith.constant 3 : i32
    %mul3A_570 = vector.broadcast %mul3A_569 : i32 to vector<32x512xi32>
    %mul3A_571 = arith.muli %add3A_37, %mul3A_570 : vector<32x512xi32>
    %add3A_572 = arith.constant 2 : i32
    %add3A_573 = vector.broadcast %add3A_572 : i32 to vector<32x512xi32>
    %add3A_574 = arith.addi %mul3A_571, %add3A_573 : vector<32x512xi32>
    %xor3A_575 = arith.constant 0 : i32
    %xor3A_576 = arith.constant 42 : i32
    %xor3A_577 = arith.xori %xor3A_575, %xor3A_576 : i32
    %xor3A_578 = arith.constant 466688986 : i32
    %xor3A_579 = arith.xori %xor3A_577, %xor3A_578 : i32
    %add3A_580 = arith.constant 42 : i32
    %add3A_581 = vector.broadcast %add3A_580 : i32 to vector<32x512xi32>
    %add3A_582 = arith.addi %add3A_574, %add3A_581 : vector<32x512xi32>
    %shift_left3A_583 = arith.constant 13 : i32
    %shift_left3A_584 = vector.broadcast %shift_left3A_583 : i32 to vector<32x512xi32>
    %shift_left3A_585 = arith.shli %add3A_582, %shift_left3A_584 : vector<32x512xi32>
    %shift_right_logical3A_586 = arith.constant 19 : i32
    %shift_right_logical3A_587 = vector.broadcast %shift_right_logical3A_586 : i32 to vector<32x512xi32>
    %shift_right_logical3A_588 = arith.shrui %add3A_582, %shift_right_logical3A_587 : vector<32x512xi32>
    %or3A_589 = arith.ori %shift_left3A_585, %shift_right_logical3A_588 : vector<32x512xi32>
    %xor3A_590 = arith.xori %add3A_582, %or3A_589 : vector<32x512xi32>
    %add3A_591 = arith.addi %add3A_582, %xor3A_590 : vector<32x512xi32>
    %shift_left3A_592 = arith.constant 15 : i32
    %shift_left3A_593 = vector.broadcast %shift_left3A_592 : i32 to vector<32x512xi32>
    %shift_left3A_594 = arith.shli %xor3A_590, %shift_left3A_593 : vector<32x512xi32>
    %shift_right_logical3A_595 = arith.constant 17 : i32
    %shift_right_logical3A_596 = vector.broadcast %shift_right_logical3A_595 : i32 to vector<32x512xi32>
    %shift_right_logical3A_597 = arith.shrui %xor3A_590, %shift_right_logical3A_596 : vector<32x512xi32>
    %or3A_598 = arith.ori %shift_left3A_594, %shift_right_logical3A_597 : vector<32x512xi32>
    %xor3A_599 = arith.xori %add3A_591, %or3A_598 : vector<32x512xi32>
    %add3A_600 = arith.addi %add3A_591, %xor3A_599 : vector<32x512xi32>
    %shift_left3A_601 = arith.constant 26 : i32
    %shift_left3A_602 = vector.broadcast %shift_left3A_601 : i32 to vector<32x512xi32>
    %shift_left3A_603 = arith.shli %xor3A_599, %shift_left3A_602 : vector<32x512xi32>
    %shift_right_logical3A_604 = arith.constant 6 : i32
    %shift_right_logical3A_605 = vector.broadcast %shift_right_logical3A_604 : i32 to vector<32x512xi32>
    %shift_right_logical3A_606 = arith.shrui %xor3A_599, %shift_right_logical3A_605 : vector<32x512xi32>
    %or3A_607 = arith.ori %shift_left3A_603, %shift_right_logical3A_606 : vector<32x512xi32>
    %xor3A_608 = arith.xori %add3A_600, %or3A_607 : vector<32x512xi32>
    %add3A_609 = arith.addi %add3A_600, %xor3A_608 : vector<32x512xi32>
    %shift_left3A_610 = arith.constant 6 : i32
    %shift_left3A_611 = vector.broadcast %shift_left3A_610 : i32 to vector<32x512xi32>
    %shift_left3A_612 = arith.shli %xor3A_608, %shift_left3A_611 : vector<32x512xi32>
    %shift_right_logical3A_613 = arith.constant 26 : i32
    %shift_right_logical3A_614 = vector.broadcast %shift_right_logical3A_613 : i32 to vector<32x512xi32>
    %shift_right_logical3A_615 = arith.shrui %xor3A_608, %shift_right_logical3A_614 : vector<32x512xi32>
    %or3A_616 = arith.ori %shift_left3A_612, %shift_right_logical3A_615 : vector<32x512xi32>
    %xor3A_617 = arith.xori %add3A_609, %or3A_616 : vector<32x512xi32>
    %add3A_618 = arith.constant 42 : i32
    %add3A_619 = vector.broadcast %add3A_618 : i32 to vector<32x512xi32>
    %add3A_620 = arith.addi %add3A_609, %add3A_619 : vector<32x512xi32>
    %add3A_621 = vector.broadcast %xor3A_579 : i32 to vector<32x512xi32>
    %add3A_622 = arith.addi %xor3A_617, %add3A_621 : vector<32x512xi32>
    %add3A_623 = arith.constant 1 : i32
    %add3A_624 = vector.broadcast %add3A_623 : i32 to vector<32x512xi32>
    %add3A_625 = arith.addi %add3A_622, %add3A_624 : vector<32x512xi32>
    %add3A_626 = arith.addi %add3A_620, %add3A_625 : vector<32x512xi32>
    %shift_left3A_627 = arith.constant 17 : i32
    %shift_left3A_628 = vector.broadcast %shift_left3A_627 : i32 to vector<32x512xi32>
    %shift_left3A_629 = arith.shli %add3A_625, %shift_left3A_628 : vector<32x512xi32>
    %shift_right_logical3A_630 = arith.constant 15 : i32
    %shift_right_logical3A_631 = vector.broadcast %shift_right_logical3A_630 : i32 to vector<32x512xi32>
    %shift_right_logical3A_632 = arith.shrui %add3A_625, %shift_right_logical3A_631 : vector<32x512xi32>
    %or3A_633 = arith.ori %shift_left3A_629, %shift_right_logical3A_632 : vector<32x512xi32>
    %xor3A_634 = arith.xori %add3A_626, %or3A_633 : vector<32x512xi32>
    %add3A_635 = arith.addi %add3A_626, %xor3A_634 : vector<32x512xi32>
    %shift_left3A_636 = arith.constant 29 : i32
    %shift_left3A_637 = vector.broadcast %shift_left3A_636 : i32 to vector<32x512xi32>
    %shift_left3A_638 = arith.shli %xor3A_634, %shift_left3A_637 : vector<32x512xi32>
    %shift_right_logical3A_639 = arith.constant 3 : i32
    %shift_right_logical3A_640 = vector.broadcast %shift_right_logical3A_639 : i32 to vector<32x512xi32>
    %shift_right_logical3A_641 = arith.shrui %xor3A_634, %shift_right_logical3A_640 : vector<32x512xi32>
    %or3A_642 = arith.ori %shift_left3A_638, %shift_right_logical3A_641 : vector<32x512xi32>
    %xor3A_643 = arith.xori %add3A_635, %or3A_642 : vector<32x512xi32>
    %add3A_644 = arith.addi %add3A_635, %xor3A_643 : vector<32x512xi32>
    %shift_left3A_645 = arith.constant 16 : i32
    %shift_left3A_646 = vector.broadcast %shift_left3A_645 : i32 to vector<32x512xi32>
    %shift_left3A_647 = arith.shli %xor3A_643, %shift_left3A_646 : vector<32x512xi32>
    %shift_right_logical3A_648 = arith.constant 16 : i32
    %shift_right_logical3A_649 = vector.broadcast %shift_right_logical3A_648 : i32 to vector<32x512xi32>
    %shift_right_logical3A_650 = arith.shrui %xor3A_643, %shift_right_logical3A_649 : vector<32x512xi32>
    %or3A_651 = arith.ori %shift_left3A_647, %shift_right_logical3A_650 : vector<32x512xi32>
    %xor3A_652 = arith.xori %add3A_644, %or3A_651 : vector<32x512xi32>
    %add3A_653 = arith.addi %add3A_644, %xor3A_652 : vector<32x512xi32>
    %shift_left3A_654 = arith.constant 24 : i32
    %shift_left3A_655 = vector.broadcast %shift_left3A_654 : i32 to vector<32x512xi32>
    %shift_left3A_656 = arith.shli %xor3A_652, %shift_left3A_655 : vector<32x512xi32>
    %shift_right_logical3A_657 = arith.constant 8 : i32
    %shift_right_logical3A_658 = vector.broadcast %shift_right_logical3A_657 : i32 to vector<32x512xi32>
    %shift_right_logical3A_659 = arith.shrui %xor3A_652, %shift_right_logical3A_658 : vector<32x512xi32>
    %or3A_660 = arith.ori %shift_left3A_656, %shift_right_logical3A_659 : vector<32x512xi32>
    %xor3A_661 = arith.xori %add3A_653, %or3A_660 : vector<32x512xi32>
    %add3A_662 = vector.broadcast %xor3A_579 : i32 to vector<32x512xi32>
    %add3A_663 = arith.addi %add3A_653, %add3A_662 : vector<32x512xi32>
    %add3A_664 = arith.constant 0 : i32
    %add3A_665 = vector.broadcast %add3A_664 : i32 to vector<32x512xi32>
    %add3A_666 = arith.addi %xor3A_661, %add3A_665 : vector<32x512xi32>
    %add3A_667 = arith.constant 2 : i32
    %add3A_668 = vector.broadcast %add3A_667 : i32 to vector<32x512xi32>
    %add3A_669 = arith.addi %add3A_666, %add3A_668 : vector<32x512xi32>
    %add3A_670 = arith.addi %add3A_663, %add3A_669 : vector<32x512xi32>
    %shift_left3A_671 = arith.constant 13 : i32
    %shift_left3A_672 = vector.broadcast %shift_left3A_671 : i32 to vector<32x512xi32>
    %shift_left3A_673 = arith.shli %add3A_669, %shift_left3A_672 : vector<32x512xi32>
    %shift_right_logical3A_674 = arith.constant 19 : i32
    %shift_right_logical3A_675 = vector.broadcast %shift_right_logical3A_674 : i32 to vector<32x512xi32>
    %shift_right_logical3A_676 = arith.shrui %add3A_669, %shift_right_logical3A_675 : vector<32x512xi32>
    %or3A_677 = arith.ori %shift_left3A_673, %shift_right_logical3A_676 : vector<32x512xi32>
    %xor3A_678 = arith.xori %add3A_670, %or3A_677 : vector<32x512xi32>
    %add3A_679 = arith.addi %add3A_670, %xor3A_678 : vector<32x512xi32>
    %shift_left3A_680 = arith.constant 15 : i32
    %shift_left3A_681 = vector.broadcast %shift_left3A_680 : i32 to vector<32x512xi32>
    %shift_left3A_682 = arith.shli %xor3A_678, %shift_left3A_681 : vector<32x512xi32>
    %shift_right_logical3A_683 = arith.constant 17 : i32
    %shift_right_logical3A_684 = vector.broadcast %shift_right_logical3A_683 : i32 to vector<32x512xi32>
    %shift_right_logical3A_685 = arith.shrui %xor3A_678, %shift_right_logical3A_684 : vector<32x512xi32>
    %or3A_686 = arith.ori %shift_left3A_682, %shift_right_logical3A_685 : vector<32x512xi32>
    %xor3A_687 = arith.xori %add3A_679, %or3A_686 : vector<32x512xi32>
    %add3A_688 = arith.addi %add3A_679, %xor3A_687 : vector<32x512xi32>
    %shift_left3A_689 = arith.constant 26 : i32
    %shift_left3A_690 = vector.broadcast %shift_left3A_689 : i32 to vector<32x512xi32>
    %shift_left3A_691 = arith.shli %xor3A_687, %shift_left3A_690 : vector<32x512xi32>
    %shift_right_logical3A_692 = arith.constant 6 : i32
    %shift_right_logical3A_693 = vector.broadcast %shift_right_logical3A_692 : i32 to vector<32x512xi32>
    %shift_right_logical3A_694 = arith.shrui %xor3A_687, %shift_right_logical3A_693 : vector<32x512xi32>
    %or3A_695 = arith.ori %shift_left3A_691, %shift_right_logical3A_694 : vector<32x512xi32>
    %xor3A_696 = arith.xori %add3A_688, %or3A_695 : vector<32x512xi32>
    %add3A_697 = arith.addi %add3A_688, %xor3A_696 : vector<32x512xi32>
    %shift_left3A_698 = arith.constant 6 : i32
    %shift_left3A_699 = vector.broadcast %shift_left3A_698 : i32 to vector<32x512xi32>
    %shift_left3A_700 = arith.shli %xor3A_696, %shift_left3A_699 : vector<32x512xi32>
    %shift_right_logical3A_701 = arith.constant 26 : i32
    %shift_right_logical3A_702 = vector.broadcast %shift_right_logical3A_701 : i32 to vector<32x512xi32>
    %shift_right_logical3A_703 = arith.shrui %xor3A_696, %shift_right_logical3A_702 : vector<32x512xi32>
    %or3A_704 = arith.ori %shift_left3A_700, %shift_right_logical3A_703 : vector<32x512xi32>
    %xor3A_705 = arith.xori %add3A_697, %or3A_704 : vector<32x512xi32>
    %add3A_706 = arith.constant 0 : i32
    %add3A_707 = vector.broadcast %add3A_706 : i32 to vector<32x512xi32>
    %add3A_708 = arith.addi %add3A_697, %add3A_707 : vector<32x512xi32>
    %add3A_709 = arith.constant 42 : i32
    %add3A_710 = vector.broadcast %add3A_709 : i32 to vector<32x512xi32>
    %add3A_711 = arith.addi %xor3A_705, %add3A_710 : vector<32x512xi32>
    %add3A_712 = arith.constant 3 : i32
    %add3A_713 = vector.broadcast %add3A_712 : i32 to vector<32x512xi32>
    %add3A_714 = arith.addi %add3A_711, %add3A_713 : vector<32x512xi32>
    %add3A_715 = arith.addi %add3A_708, %add3A_714 : vector<32x512xi32>
    %shift_left3A_716 = arith.constant 17 : i32
    %shift_left3A_717 = vector.broadcast %shift_left3A_716 : i32 to vector<32x512xi32>
    %shift_left3A_718 = arith.shli %add3A_714, %shift_left3A_717 : vector<32x512xi32>
    %shift_right_logical3A_719 = arith.constant 15 : i32
    %shift_right_logical3A_720 = vector.broadcast %shift_right_logical3A_719 : i32 to vector<32x512xi32>
    %shift_right_logical3A_721 = arith.shrui %add3A_714, %shift_right_logical3A_720 : vector<32x512xi32>
    %or3A_722 = arith.ori %shift_left3A_718, %shift_right_logical3A_721 : vector<32x512xi32>
    %xor3A_723 = arith.xori %add3A_715, %or3A_722 : vector<32x512xi32>
    %add3A_724 = arith.addi %add3A_715, %xor3A_723 : vector<32x512xi32>
    %shift_left3A_725 = arith.constant 29 : i32
    %shift_left3A_726 = vector.broadcast %shift_left3A_725 : i32 to vector<32x512xi32>
    %shift_left3A_727 = arith.shli %xor3A_723, %shift_left3A_726 : vector<32x512xi32>
    %shift_right_logical3A_728 = arith.constant 3 : i32
    %shift_right_logical3A_729 = vector.broadcast %shift_right_logical3A_728 : i32 to vector<32x512xi32>
    %shift_right_logical3A_730 = arith.shrui %xor3A_723, %shift_right_logical3A_729 : vector<32x512xi32>
    %or3A_731 = arith.ori %shift_left3A_727, %shift_right_logical3A_730 : vector<32x512xi32>
    %xor3A_732 = arith.xori %add3A_724, %or3A_731 : vector<32x512xi32>
    %add3A_733 = arith.addi %add3A_724, %xor3A_732 : vector<32x512xi32>
    %shift_left3A_734 = arith.constant 16 : i32
    %shift_left3A_735 = vector.broadcast %shift_left3A_734 : i32 to vector<32x512xi32>
    %shift_left3A_736 = arith.shli %xor3A_732, %shift_left3A_735 : vector<32x512xi32>
    %shift_right_logical3A_737 = arith.constant 16 : i32
    %shift_right_logical3A_738 = vector.broadcast %shift_right_logical3A_737 : i32 to vector<32x512xi32>
    %shift_right_logical3A_739 = arith.shrui %xor3A_732, %shift_right_logical3A_738 : vector<32x512xi32>
    %or3A_740 = arith.ori %shift_left3A_736, %shift_right_logical3A_739 : vector<32x512xi32>
    %xor3A_741 = arith.xori %add3A_733, %or3A_740 : vector<32x512xi32>
    %add3A_742 = arith.addi %add3A_733, %xor3A_741 : vector<32x512xi32>
    %shift_left3A_743 = arith.constant 24 : i32
    %shift_left3A_744 = vector.broadcast %shift_left3A_743 : i32 to vector<32x512xi32>
    %shift_left3A_745 = arith.shli %xor3A_741, %shift_left3A_744 : vector<32x512xi32>
    %shift_right_logical3A_746 = arith.constant 8 : i32
    %shift_right_logical3A_747 = vector.broadcast %shift_right_logical3A_746 : i32 to vector<32x512xi32>
    %shift_right_logical3A_748 = arith.shrui %xor3A_741, %shift_right_logical3A_747 : vector<32x512xi32>
    %or3A_749 = arith.ori %shift_left3A_745, %shift_right_logical3A_748 : vector<32x512xi32>
    %xor3A_750 = arith.xori %add3A_742, %or3A_749 : vector<32x512xi32>
    %add3A_751 = arith.constant 42 : i32
    %add3A_752 = vector.broadcast %add3A_751 : i32 to vector<32x512xi32>
    %add3A_753 = arith.addi %add3A_742, %add3A_752 : vector<32x512xi32>
    %add3A_754 = vector.broadcast %xor3A_579 : i32 to vector<32x512xi32>
    %add3A_755 = arith.addi %xor3A_750, %add3A_754 : vector<32x512xi32>
    %add3A_756 = arith.constant 4 : i32
    %add3A_757 = vector.broadcast %add3A_756 : i32 to vector<32x512xi32>
    %add3A_758 = arith.addi %add3A_755, %add3A_757 : vector<32x512xi32>
    %add3A_759 = arith.addi %add3A_753, %add3A_758 : vector<32x512xi32>
    %shift_left3A_760 = arith.constant 13 : i32
    %shift_left3A_761 = vector.broadcast %shift_left3A_760 : i32 to vector<32x512xi32>
    %shift_left3A_762 = arith.shli %add3A_758, %shift_left3A_761 : vector<32x512xi32>
    %shift_right_logical3A_763 = arith.constant 19 : i32
    %shift_right_logical3A_764 = vector.broadcast %shift_right_logical3A_763 : i32 to vector<32x512xi32>
    %shift_right_logical3A_765 = arith.shrui %add3A_758, %shift_right_logical3A_764 : vector<32x512xi32>
    %or3A_766 = arith.ori %shift_left3A_762, %shift_right_logical3A_765 : vector<32x512xi32>
    %xor3A_767 = arith.xori %add3A_759, %or3A_766 : vector<32x512xi32>
    %add3A_768 = arith.addi %add3A_759, %xor3A_767 : vector<32x512xi32>
    %shift_left3A_769 = arith.constant 15 : i32
    %shift_left3A_770 = vector.broadcast %shift_left3A_769 : i32 to vector<32x512xi32>
    %shift_left3A_771 = arith.shli %xor3A_767, %shift_left3A_770 : vector<32x512xi32>
    %shift_right_logical3A_772 = arith.constant 17 : i32
    %shift_right_logical3A_773 = vector.broadcast %shift_right_logical3A_772 : i32 to vector<32x512xi32>
    %shift_right_logical3A_774 = arith.shrui %xor3A_767, %shift_right_logical3A_773 : vector<32x512xi32>
    %or3A_775 = arith.ori %shift_left3A_771, %shift_right_logical3A_774 : vector<32x512xi32>
    %xor3A_776 = arith.xori %add3A_768, %or3A_775 : vector<32x512xi32>
    %add3A_777 = arith.addi %add3A_768, %xor3A_776 : vector<32x512xi32>
    %shift_left3A_778 = arith.constant 26 : i32
    %shift_left3A_779 = vector.broadcast %shift_left3A_778 : i32 to vector<32x512xi32>
    %shift_left3A_780 = arith.shli %xor3A_776, %shift_left3A_779 : vector<32x512xi32>
    %shift_right_logical3A_781 = arith.constant 6 : i32
    %shift_right_logical3A_782 = vector.broadcast %shift_right_logical3A_781 : i32 to vector<32x512xi32>
    %shift_right_logical3A_783 = arith.shrui %xor3A_776, %shift_right_logical3A_782 : vector<32x512xi32>
    %or3A_784 = arith.ori %shift_left3A_780, %shift_right_logical3A_783 : vector<32x512xi32>
    %xor3A_785 = arith.xori %add3A_777, %or3A_784 : vector<32x512xi32>
    %add3A_786 = arith.addi %add3A_777, %xor3A_785 : vector<32x512xi32>
    %shift_left3A_787 = arith.constant 6 : i32
    %shift_left3A_788 = vector.broadcast %shift_left3A_787 : i32 to vector<32x512xi32>
    %shift_left3A_789 = arith.shli %xor3A_785, %shift_left3A_788 : vector<32x512xi32>
    %shift_right_logical3A_790 = arith.constant 26 : i32
    %shift_right_logical3A_791 = vector.broadcast %shift_right_logical3A_790 : i32 to vector<32x512xi32>
    %shift_right_logical3A_792 = arith.shrui %xor3A_785, %shift_right_logical3A_791 : vector<32x512xi32>
    %or3A_793 = arith.ori %shift_left3A_789, %shift_right_logical3A_792 : vector<32x512xi32>
    %xor3A_794 = arith.xori %add3A_786, %or3A_793 : vector<32x512xi32>
    %add3A_795 = vector.broadcast %xor3A_579 : i32 to vector<32x512xi32>
    %add3A_796 = arith.addi %add3A_786, %add3A_795 : vector<32x512xi32>
    %add3A_797 = arith.constant 0 : i32
    %add3A_798 = vector.broadcast %add3A_797 : i32 to vector<32x512xi32>
    %add3A_799 = arith.addi %xor3A_794, %add3A_798 : vector<32x512xi32>
    %add3A_800 = arith.constant 5 : i32
    %add3A_801 = vector.broadcast %add3A_800 : i32 to vector<32x512xi32>
    %add3A_802 = arith.addi %add3A_799, %add3A_801 : vector<32x512xi32>
    %xor3A_803 = arith.xori %add3A_796, %add3A_802 : vector<32x512xi32>
    %shift_right_logical3A_804 = arith.constant 9 : i32
    %shift_right_logical3A_805 = vector.broadcast %shift_right_logical3A_804 : i32 to vector<32x512xi32>
    %shift_right_logical3A_806 = arith.shrui %xor3A_803, %shift_right_logical3A_805 : vector<32x512xi32>
    %or3A_807 = arith.constant 1065353216 : i32
    %or3A_808 = vector.broadcast %or3A_807 : i32 to vector<32x512xi32>
    %or3A_809 = arith.ori %shift_right_logical3A_806, %or3A_808 : vector<32x512xi32>
    %bitcast_convert_type3A_810 = tpu.bitcast %or3A_809 : vector<32x512xi32> -> vector<32x512xf32>
    %sub3A_811 = arith.constant 1.000000e+00 : f32
    %sub3A_812 = vector.broadcast %sub3A_811 : f32 to vector<32x512xf32>
    %sub3A_813 = arith.subf %bitcast_convert_type3A_810, %sub3A_812 : vector<32x512xf32>
    %max3A_814 = arith.constant 1.17549435E-38 : f32
    %max3A_815 = vector.broadcast %max3A_814 : f32 to vector<32x512xf32>
    %max3A_816 = arith.maximumf %max3A_815, %sub3A_813 : vector<32x512xf32>
    %log3A_817 = math.log %max3A_816 : vector<32x512xf32>
    %neg3A_818 = arith.constant 0.000000e+00 : f32
    %neg3A_819 = vector.broadcast %neg3A_818 : f32 to vector<32x512xf32>
    %neg3A_820 = arith.subf %neg3A_819, %log3A_817 : vector<32x512xf32>
    %log3A_821 = math.log %neg3A_820 : vector<32x512xf32>
    %neg3A_822 = arith.constant 0.000000e+00 : f32
    %neg3A_823 = vector.broadcast %neg3A_822 : f32 to vector<32x512xf32>
    %neg3A_824 = arith.subf %neg3A_823, %log3A_821 : vector<32x512xf32>
    %get3A_825 = arith.index_cast %arg0 : i32 to index
    %get3A_826 = arith.constant 2 : index
    %get3A_827 = memref.load %arg4[%get3A_825, %get3A_826] : memref<32x9xf32, #tpu.memory_space<smem>>
    %get3A_828 = arith.index_cast %arg0 : i32 to index
    %get3A_829 = arith.constant 5 : index
    %get3A_830 = memref.load %arg4[%get3A_828, %get3A_829] : memref<32x9xf32, #tpu.memory_space<smem>>
    %get3A_831 = arith.index_cast %arg0 : i32 to index
    %get3A_832 = arith.constant 8 : index
    %get3A_833 = memref.load %arg4[%get3A_831, %get3A_832] : memref<32x9xf32, #tpu.memory_space<smem>>
    %broadcast_in_dim3A_834 = vector.broadcast %get3A_830 : f32 to vector<32x512xf32>
    %broadcast_in_dim3A_835 = vector.broadcast %get3A_833 : f32 to vector<32x512xf32>
    %select_n3A_836 = arith.select %eq3A_27, %broadcast_in_dim3A_834, %broadcast_in_dim3A_835 : vector<32x512xi1>, vector<32x512xf32>
    %broadcast_in_dim3A_837 = vector.broadcast %get3A_827 : f32 to vector<32x512xf32>
    %select_n3A_838 = arith.select %eq3A_24, %broadcast_in_dim3A_837, %select_n3A_836 : vector<32x512xi1>, vector<32x512xf32>
    %add3A_839 = arith.addf %neg3A_824, %select_n3A_838 : vector<32x512xf32>
    %gt3A = arith.cmpf ogt, %add3A_568, %add3A_297 : vector<32x512xf32>
    %max3A_840 = arith.maximumf %add3A_297, %add3A_568 : vector<32x512xf32>
    %gt3A_841 = arith.cmpf ogt, %add3A_839, %max3A_840 : vector<32x512xf32>
    %get3A_842 = arith.index_cast %arg0 : i32 to index
    %get3A_843 = arith.constant 2 : index
    %get3A_844 = memref.load %arg5[%get3A_842, %get3A_843] : memref<32x9xf32, #tpu.memory_space<smem>>
    %get3A_845 = arith.index_cast %arg0 : i32 to index
    %get3A_846 = arith.constant 1 : index
    %get3A_847 = memref.load %arg5[%get3A_845, %get3A_846] : memref<32x9xf32, #tpu.memory_space<smem>>
    %get3A_848 = arith.index_cast %arg0 : i32 to index
    %get3A_849 = arith.constant 0 : index
    %get3A_850 = memref.load %arg5[%get3A_848, %get3A_849] : memref<32x9xf32, #tpu.memory_space<smem>>
    %broadcast_in_dim3A_851 = vector.broadcast %get3A_847 : f32 to vector<32x512xf32>
    %broadcast_in_dim3A_852 = vector.broadcast %get3A_850 : f32 to vector<32x512xf32>
    %select_n3A_853 = arith.select %gt3A, %broadcast_in_dim3A_851, %broadcast_in_dim3A_852 : vector<32x512xi1>, vector<32x512xf32>
    %broadcast_in_dim3A_854 = vector.broadcast %get3A_844 : f32 to vector<32x512xf32>
    %select_n3A_855 = arith.select %gt3A_841, %broadcast_in_dim3A_854, %select_n3A_853 : vector<32x512xi1>, vector<32x512xf32>
    %get3A_856 = arith.index_cast %arg0 : i32 to index
    %get3A_857 = arith.constant 5 : index
    %get3A_858 = memref.load %arg5[%get3A_856, %get3A_857] : memref<32x9xf32, #tpu.memory_space<smem>>
    %get3A_859 = arith.index_cast %arg0 : i32 to index
    %get3A_860 = arith.constant 4 : index
    %get3A_861 = memref.load %arg5[%get3A_859, %get3A_860] : memref<32x9xf32, #tpu.memory_space<smem>>
    %get3A_862 = arith.index_cast %arg0 : i32 to index
    %get3A_863 = arith.constant 3 : index
    %get3A_864 = memref.load %arg5[%get3A_862, %get3A_863] : memref<32x9xf32, #tpu.memory_space<smem>>
    %broadcast_in_dim3A_865 = vector.broadcast %get3A_861 : f32 to vector<32x512xf32>
    %broadcast_in_dim3A_866 = vector.broadcast %get3A_864 : f32 to vector<32x512xf32>
    %select_n3A_867 = arith.select %gt3A, %broadcast_in_dim3A_865, %broadcast_in_dim3A_866 : vector<32x512xi1>, vector<32x512xf32>
    %broadcast_in_dim3A_868 = vector.broadcast %get3A_858 : f32 to vector<32x512xf32>
    %select_n3A_869 = arith.select %gt3A_841, %broadcast_in_dim3A_868, %select_n3A_867 : vector<32x512xi1>, vector<32x512xf32>
    %get3A_870 = arith.index_cast %arg0 : i32 to index
    %get3A_871 = arith.constant 8 : index
    %get3A_872 = memref.load %arg5[%get3A_870, %get3A_871] : memref<32x9xf32, #tpu.memory_space<smem>>
    %get3A_873 = arith.index_cast %arg0 : i32 to index
    %get3A_874 = arith.constant 7 : index
    %get3A_875 = memref.load %arg5[%get3A_873, %get3A_874] : memref<32x9xf32, #tpu.memory_space<smem>>
    %get3A_876 = arith.index_cast %arg0 : i32 to index
    %get3A_877 = arith.constant 6 : index
    %get3A_878 = memref.load %arg5[%get3A_876, %get3A_877] : memref<32x9xf32, #tpu.memory_space<smem>>
    %broadcast_in_dim3A_879 = vector.broadcast %get3A_875 : f32 to vector<32x512xf32>
    %broadcast_in_dim3A_880 = vector.broadcast %get3A_878 : f32 to vector<32x512xf32>
    %select_n3A_881 = arith.select %gt3A, %broadcast_in_dim3A_879, %broadcast_in_dim3A_880 : vector<32x512xi1>, vector<32x512xf32>
    %broadcast_in_dim3A_882 = vector.broadcast %get3A_872 : f32 to vector<32x512xf32>
    %select_n3A_883 = arith.select %gt3A_841, %broadcast_in_dim3A_882, %select_n3A_881 : vector<32x512xi1>, vector<32x512xf32>
    %select_n3A_884 = arith.select %eq3A_27, %select_n3A_869, %select_n3A_883 : vector<32x512xi1>, vector<32x512xf32>
    %select_n3A_885 = arith.select %eq3A_24, %select_n3A_855, %select_n3A_884 : vector<32x512xi1>, vector<32x512xf32>
    %mul3A_886 = vector.broadcast %convert_element_type3A_11 : vector<1x512xf32> to vector<32x512xf32>
    %mul3A_887 = arith.mulf %select_n3A_885, %mul3A_886 : vector<32x512xf32>
    %slice3A = vector.extract_strided_slice %mul3A_887 {offsets = [0, 0], sizes = [32, 128], strides = [1, 1]} : vector<32x512xf32> to vector<32x128xf32>
    %slice3A_888 = vector.extract_strided_slice %mul3A_887 {offsets = [0, 128], sizes = [32, 128], strides = [1, 1]} : vector<32x512xf32> to vector<32x128xf32>
    %add3A_889 = arith.addf %slice3A, %slice3A_888 : vector<32x128xf32>
    %slice3A_890 = vector.extract_strided_slice %mul3A_887 {offsets = [0, 256], sizes = [32, 128], strides = [1, 1]} : vector<32x512xf32> to vector<32x128xf32>
    %add3A_891 = arith.addf %add3A_889, %slice3A_890 : vector<32x128xf32>
    %slice3A_892 = vector.extract_strided_slice %mul3A_887 {offsets = [0, 384], sizes = [32, 128], strides = [1, 1]} : vector<32x512xf32> to vector<32x128xf32>
    %add3A_893 = arith.addf %add3A_891, %slice3A_892 : vector<32x128xf32>
    %slice3A_894 = vector.extract_strided_slice %add3A_893 {offsets = [0, 0], sizes = [8, 128], strides = [1, 1]} : vector<32x128xf32> to vector<8x128xf32>
    %slice3A_895 = vector.extract_strided_slice %add3A_893 {offsets = [8, 0], sizes = [8, 128], strides = [1, 1]} : vector<32x128xf32> to vector<8x128xf32>
    %add3A_896 = arith.addf %slice3A_894, %slice3A_895 : vector<8x128xf32>
    %slice3A_897 = vector.extract_strided_slice %add3A_893 {offsets = [16, 0], sizes = [8, 128], strides = [1, 1]} : vector<32x128xf32> to vector<8x128xf32>
    %add3A_898 = arith.addf %add3A_896, %slice3A_897 : vector<8x128xf32>
    %slice3A_899 = vector.extract_strided_slice %add3A_893 {offsets = [24, 0], sizes = [8, 128], strides = [1, 1]} : vector<32x128xf32> to vector<8x128xf32>
    %add3A_900 = arith.addf %add3A_898, %slice3A_899 : vector<8x128xf32>
    %get3A_901 = arith.constant 0 : index
    %get3A_902 = arith.constant 0 : index
    %get3A_903 = vector.load %arg6[%get3A_901, %get3A_902] : memref<16x128xf32, #tpu.memory_space<vmem>>, vector<8x128xf32>
    %add3A_904 = arith.addf %get3A_903, %add3A_900 : vector<8x128xf32>
    %swap3A = arith.constant 0 : index
    %swap3A_905 = arith.constant 0 : index
    %swap3A_906 = vector.load %arg6[%swap3A, %swap3A_905] : memref<16x128xf32, #tpu.memory_space<vmem>>, vector<8x128xf32>
    tpu.vector_store %arg6[%swap3A, %swap3A_905], %add3A_904 {strides = array<i32>} : memref<16x128xf32, #tpu.memory_space<vmem>>, vector<8x128xf32>,
    return
  }
  func.func @transform_0(%arg0: i32, %arg1: i32) -> (i32, i32, i32) {
    %c0_i32 = arith.constant 0 : i32
    %c0_i32_0 = arith.constant 0 : i32
    return %arg0, %arg1, %c0_i32 : i32, i32, i32
  }
  func.func @transform_1(%arg0: i32, %arg1: i32) -> (i32, i32, i32) {
    %c0_i32 = arith.constant 0 : i32
    %c0_i32_0 = arith.constant 0 : i32
    %c0_i32_1 = arith.constant 0 : i32
    return %arg0, %c0_i32, %c0_i32_0 : i32, i32, i32
  }
  func.func @transform_2(%arg0: i32, %arg1: i32) -> (i32, i32) {
    %c0_i32 = arith.constant 0 : i32
    %c0_i32_0 = arith.constant 0 : i32
    %c0_i32_1 = arith.constant 0 : i32
    return %c0_i32, %c0_i32_0 : i32, i32
  }
  func.func @transform_3(%arg0: i32, %arg1: i32) -> (i32, i32) {
    %c0_i32 = arith.constant 0 : i32
    %c0_i32_0 = arith.constant 0 : i32
    %c0_i32_1 = arith.constant 0 : i32
    return %c0_i32, %c0_i32_0 : i32, i32
  }
  func.func @transform_4(%arg0: i32, %arg1: i32) -> (i32, i32) {
    %c0_i32 = arith.constant 0 : i32
    %c0_i32_0 = arith.constant 0 : i32
    %c0_i32_1 = arith.constant 0 : i32
    return %c0_i32, %c0_i32_0 : i32, i32
  }
}

</mosaic_0001>

<sc_bundles>
// kernel: kernel.4.cloned.1.call-start
scs
__scs_entry_jumppad:
0x0: {  	(pc) =	sbr.rel $0x88, $3  }
0x1: {  	(tag) =	ssettag $0x0;
	lr =	simm.s32 $0x1  }
0x2: {  	[smem:$0x3F9C] =	sst lr;
	_ =	strace $0xD0000000  }
0x3: {  	_ = 	snop  }
0x4: {  	_ = 	snop  }
0x5: {  	_ = 	snop  }
0x6: {  	_ = 	snop  }
0x7: {  	_ = 	snop  }
__scs_overlays_trampoline_lowered:
0x8: {  	[smem:$0x3FAB] =	sst s0  }
0x9: {  	[smem:$0x3FAC] =	sst s1  }
0xa: {  	[smem:$0x3FAD] =	sst s2  }
0xb: {  	[smem:$0x3FAE] =	sst s3  }
0xc: {  	[smem:$0x3FAF] =	sst s4  }
0xd: {  	[smem:$0x3FB0] =	sst s5  }
0xe: {  	[smem:$0x3FB1] =	sst s6  }
0xf: {  	[smem:$0x3FB2] =	sst s7  }
0x10: {  	[smem:$0x3FB3] =	sst s8  }
0x11: {  	[smem:$0x3FB4] =	sst s9;
	s0 =	simm.s32 @!p0 $0x0  }
0x12: {  	s1 =	sld [smem:$0x3F9A];
	s0 =	simm.s32 @p0 $0x1  }
0x13: {  	[smem:$0x3FB5] =	sst s0;
	s0 =	simm.s32 @!p1 $0x0  }
0x14: {  	s2 =	sld [smem:$0x3F99];
	s0 =	simm.s32 @p1 $0x1  }
0x15: {  	[smem:$0x3FB6] =	sst s0;
	s0 =	simm.s32 @!p2 $0x0  }
0x16: {  	s3 =	sld [smem:$0x3FDB];
	s0 =	simm.s32 @p2 $0x1  }
0x17: {  	s4 =	simm.s32 $0x1BF5;
	[smem:$0x3FB8] =	sst s0  }
0x18: {  	s0 =	sld [smem:$0x3F9B];
	_ =	swait.ge [sflag:s4], $0x0  }
0x19: {  	s7 =	sld [smem:$0x3F9C]  }
0x1a: {  	s8 =	sadd.s32 $0xFFFFE003, lr  }
0x1b: {  	s9 =	sadd.s32 $0xFFFFFEF7, lr;
	s5 =	simm.s32 $0xFFFFFFFF;
	p2 =	slt.u32 s8, $0xFFFFF086  }
0x1c: {  	p1 =	slt.u32 s9, $0xF7A;
	s5 =	simm.s32 @!p2 $0x0  }
0x1d: {  	s5 =	simm.s32 @p1 $0x1;
	p0 =	seq.s32 s7, s2  }
0x1e: {  	s7 =	smul.u32 @!p0 $0xF7A, s2;
	p2 =	seq.s32 @!p0 s5, $0x0  }
0x1f: {  	s9 =	smul.u32 $0xF7A, s1;
	s8 =	simm.s32 @!p0 $0x1BF5;
	p2 =	por !p2, p0  }
0x20: {  	[sflag:s8] =	ssyncset.s32 @!p0 $0xFFFFF086;
	s6 =	sadd.s32 @!p0 s3, s7;
	s7 =	simm.s32 @!p0 $0x108  }
0x21: {  	s3 =	sadd.s32 s3, s9;
	s6 =	sadd.s32 @!p0 $0x88, s6;
	s7 =	simm.s32 @p2 $0x1082  }
0x22: {  	[simem:s7], [sflag:s8] =	dma.local @!p0 [hbm:s6], $0xF7A  }
0x23: {  	s9 =	sor.u32 $0xD0000000, s2;
	s6 =	simm.s32 $0x108;
	_ =	swait.ge @!p0 [sflag:s8], $0x0  }
0x24: {  	s3 =	sadd.s32 $0x88, s3;
	s6 =	simm.s32 @!p1 $0x1082;
	[sflag:s4] =	ssyncset.s32 $0xFFFFF086  }
0x25: {  	[simem:s6], [sflag:s4] =	dma.local [hbm:s3], $0xF7A  }
0x26: {  	[smem:$0x3F9C] =	sst s1;
	(tag) =	ssettag s2;
	_ =	strace s9  }
0x27: {  	s1 =	sld [smem:$0x3FAC]  }
0x28: {  	s2 =	sld [smem:$0x3FAD]  }
0x29: {  	s4 =	sld [smem:$0x3FAF]  }
0x2a: {  	p0 =	seq.s32 s5, $0x0;
	s5 =	sld [smem:$0x3FB0]  }
0x2b: {  	s6 =	sld [smem:$0x3FB1]  }
0x2c: {  	s7 =	sld [smem:$0x3FB2]  }
0x2d: {  	s3 =	simm.s32 $0x108;
	s8 =	sld [smem:$0x3FB3]  }
0x2e: {  	s3 =	simm.s32 @!p0 $0x1082;
	s9 =	sld [smem:$0x3FB4]  }
0x2f: {  	lr =	sadd.s32 s0, s3;
	s0 =	sld [smem:$0x3FAB]  }
0x30: {  	s3 =	sld [smem:$0x3FAE]  }
0x31: {  	[smem:$0x3FB7] =	sst s10  }
0x32: {  	s10 =	sld [smem:$0x3FB5];
	_ =	sdelay $0x3  }
0x33: {  	p0 =	seq.s32 s10, $0x1;
	s10 =	sld [smem:$0x3FB7];
	_ =	sdelay $0x3  }
0x34: {  	[smem:$0x3FB7] =	sst s10  }
0x35: {  	s10 =	sld [smem:$0x3FB6];
	_ =	sdelay $0x3  }
0x36: {  	p1 =	seq.s32 s10, $0x1;
	s10 =	sld [smem:$0x3FB7];
	_ =	sdelay $0x3  }
0x37: {  	[smem:$0x3FB7] =	sst s10  }
0x38: {  	s10 =	sld [smem:$0x3FB8]  }
0x39: {  	_ = 	snop;
	(pc) =	sbr.ind lr, $3  }
0x3a: {  	_ = 	snop  }
0x3b: {  	_ = 	snop  }
0x3c: {  	p2 =	seq.s32 s10, $0x1;
	s10 =	sld [smem:$0x3FB7]  }
0x3d: {  	_ =	shalt  }
0x3e: {  	_ =	shalt  }
0x3f: {  	_ =	shalt  }
0x40: {  	_ =	shalt  }
0x41: {  	_ =	shalt  }
0x42: {  	_ =	shalt  }
0x43: {  	_ =	shalt  }
0x44: {  	_ =	shalt  }
0x45: {  	_ =	shalt  }
0x46: {  	_ =	shalt  }
0x47: {  	_ =	shalt  }
0x48: {  	_ =	shalt  }
0x49: {  	_ =	shalt  }
0x4a: {  	_ =	shalt  }
0x4b: {  	_ =	shalt  }
0x4c: {  	_ =	shalt  }
0x4d: {  	_ =	shalt  }
0x4e: {  	_ =	shalt  }
0x4f: {  	_ =	shalt  }
0x50: {  	_ =	shalt  }
0x51: {  	_ =	shalt  }
0x52: {  	_ =	shalt  }
0x53: {  	_ =	shalt  }
0x54: {  	_ =	shalt  }
0x55: {  	_ =	shalt  }
0x56: {  	_ =	shalt  }
0x57: {  	_ =	shalt  }
0x58: {  	_ =	shalt  }
0x59: {  	_ =	shalt  }
0x5a: {  	_ =	shalt  }
0x5b: {  	_ =	shalt  }
0x5c: {  	_ =	shalt  }
0x5d: {  	_ =	shalt  }
0x5e: {  	_ =	shalt  }
0x5f: {  	_ =	shalt  }
0x60: {  	_ =	shalt  }
0x61: {  	_ =	shalt  }
0x62: {  	_ =	shalt  }
0x63: {  	_ =	shalt  }
0x64: {  	_ =	shalt  }
0x65: {  	_ =	shalt  }
0x66: {  	_ =	shalt  }
0x67: {  	_ =	shalt  }
0x68: {  	_ =	shalt  }
0x69: {  	_ =	shalt  }
0x6a: {  	_ =	shalt  }
0x6b: {  	_ =	shalt  }
0x6c: {  	_ =	shalt  }
0x6d: {  	_ =	shalt  }
0x6e: {  	_ =	shalt  }
0x6f: {  	_ =	shalt  }
0x70: {  	_ =	shalt  }
0x71: {  	_ =	shalt  }
0x72: {  	_ =	shalt  }
0x73: {  	_ =	shalt  }
0x74: {  	_ =	shalt  }
0x75: {  	_ =	shalt  }
0x76: {  	_ =	shalt  }
0x77: {  	_ =	shalt  }
0x78: {  	_ =	shalt  }
0x79: {  	_ =	shalt  }
0x7a: {  	_ =	shalt  }
0x7b: {  	_ =	shalt  }
0x7c: {  	_ =	shalt  }
0x7d: {  	_ =	shalt  }
0x7e: {  	_ =	shalt  }
0x7f: {  	_ =	shalt  }
0x80: {  	_ =	shalt  }
0x81: {  	_ =	shalt  }
0x82: {  	_ =	shalt  }
0x83: {  	_ =	shalt  }
0x84: {  	_ =	shalt  }
0x85: {  	_ =	shalt  }
0x86: {  	_ =	shalt  }
0x87: {  	_ =	shalt  }
.Lfunc_end0:
.L_simem_size_0:
called_computation_lowered:
.L_overlay_start_0:
0x88: {  	s2 =	sld [smem:$0x3FD9]  }
0x89: {  	s3 =	sld [smem:$0x3FFE];
	_ =	sdelay $0x1  }
0x8a: {  	s1 =	srdreg.scid  }
0x8b: {  	s0 =	sand.u32 $0x1, s1  }
0x8c: {  	s17 =	sshll.u32 s0, $0xA;
	s2 =	sadd.s32 s3, s2  }
0x8d: {  	s2 =	sadd.s32 s2, s17  }
0x8e: {  	[smem:$0x3FC3] =	sst s2  }
0x8f: {  	_ = 	snop  }
0x90: {  	s2 =	sld [smem:$0x3FC7];
	(tm) =	ssettm $0x1  }
0x91: {  	s18 =	sld [smem:$0x3FFB];
	_ =	sdelay $0x3  }
0x92: {  	_ =	strace s18  }
0x93: {  	s3 =	sld [smem:$0x3FFC];
	_ =	sdelay $0x3  }
0x94: {  	_ =	strace s3  }
0x95: {  	s3 =	sld [smem:$0x3FFD];
	_ =	sdelay $0x3  }
0x96: {  	_ =	strace s3  }
0x97: {  	_ =	strace $0x8FFFFFFF  }
0x98: {  	s19 =	sld [smem:$0x3FDB];
	_ =	sdelay $0x1  }
0x99: {  	s4 =	simm.s32 $_scs_section_size  }
0x9a: {  	s5 =	simm.s32 $_size__tile_overlayer_lowered;
	s6 =	simm.s32 $_tile_overlayer_lowered  }
0x9b: {  	s22 =	simm.s32 $0x1BFF;
	s21 =	sshll.u32 s6, $0x1;
	s3 =	sadd.s32 s4, s19  }
0x9c: {  	s7 =	simm.s32 $0x0;
	s20 =	sshll.u32 s5, $0x1;
	s5 =	sadd.s32 s21, s3  }
0x9d: {  	[timem:s7], [sflag:s22] =	dma.local [hbm:s5], s20  }
0x9e: {  	_ =	swait.ge [sflag:s22], s20  }
0x9f: {  	s4 =	ssub.s32 $0x0, s20;
	[sflag:s22] =	ssyncset.done $0x0  }
0xa0: {  	[sflag:s22] =	ssyncadd.s32 s4;
	_ =	sdelay $0x1  }
0xa1: {  	s23 =	simm.s32 $0x1B8B  }
0xa2: {  	_ =	swait.ge [sflag:s23], $0x1  }
0xa3: {  	[sflag:s23] =	ssyncset.done $0x0  }
0xa4: {  	s25 =	simm.s32 $0x1B8E;
	s24 =	sld [smem:$0x3FFE];
	[sflag:s23] =	ssyncadd.s32 $0xFFFFFFFF  }
0xa5: {  	s26 =	simm.s32 $execute0_lowered;
	[smem:$0x3FD2] =	sst s25  }
0xa6: {  	s5 =	sshll.u32 s26, $0x1;
	_ =	strace $0x80000046;
	[dreg:$0x1] =	wrdreg $0xFFFFFFFF  }
0xa7: {  	s28 =	simm.s32 $_size_execute0_lowered;
	s3 =	sadd.s32 s3, s5;
	[dreg:$0x0] =	wrdreg $0x0  }
0xa8: {  	s5 =	sshll.u32 s28, $0x1;
	[dreg:$0x2] =	wrdreg s3  }
0xa9: {  	[dreg:$0x3] =	wrdreg s5  }
0xaa: {  	[dreg:$0x4] =	wrdreg $0xC0  }
0xab: {  	_ =	task [dreg:s7], $0x5FFFF  }
0xac: {  	[dreg:$0x1] =	wrdreg $0xFFFFFFFF  }
0xad: {  	[dreg:$0x0] =	wrdreg $0x60  }
0xae: {  	[dreg:$0x2] =	wrdreg s24  }
0xaf: {  	[dreg:$0x3] =	wrdreg s2  }
0xb0: {  	[dreg:$0x4] =	wrdreg $0x9  }
0xb1: {  	_ =	task.clear_ibuf [dreg:s7], $0x5FFFF;
	_ =	strace $0x90000046  }
0xb2: {  	s29 =	simm.s32 $0x9;
	_ =	strace $0x80000048  }
0xb3: {  	_ =	swait.ge [sflag:s29], $0x1  }
0xb4: {  	[sflag:s29] =	ssyncadd.s32 $0xFFFFFFFF  }
0xb5: {  	_ =	strace $0x90000048  }
0xb6: {  	_ =	sfence  }
0xb7: {  	s30 =	sld [smem:$0x0];
	_ =	sdelay $0x2  }
0xb8: {  	s31 =	sshll.u32 s1, $0xD;
	s1 =	sshrl.u32 s1, $0x2  }
0xb9: {  	s3 =	sand.u32 $0x4000, s31;
	s1 =	sadd.s32 s1, s30  }
0xba: {  	s0 =	sor.u32 s3, s0;
	s1 =	sshll.u32 s1, $0x11  }
0xbb: {  	s0 =	sor.u32 s1, s0  }
0xbc: {  	s0 =	sadd.s32 $0x8F2B, s0  }
0xbd: {  	[sflag:s0] =	ssyncadd.remote.s32 $0x1  }
0xbe: {  	_ =	sfence.sel $0xFFFF  }
0xbf: {  	[dreg:$0x0] =	wrdreg $0xFFFFFFFF;
	(pc) =	sbr.abs _section_cstart, $3  }
0xc0: {  	[dreg:$0x1] =	wrdreg $0xFFFFFFFF  }
0xc1: {  	_ =	task.clear_ibuf [dreg:s7], $0x2FFFF;
	_ =	strace $0x9FFFFFFF  }
0xc2: {  	(tm) =	ssettm $0x7FFFFFFF  }
0xc3: {  	_ =	shalt  }
tec
execute0_lowered:
.L_overlay_start_1:
0x0: {  	(tag) =	ssettag $0x1  }
0x1: {  	s0 =	srdreg.scid  }
0x2: {  	s6 =	sand.u32 $0x1, s0;
	s0 =	stileid.u32  }
0x3: {  	s4 =	sshll.u32 s0, $0x1;
	s5 =	ssub.s32 $0x0, s6  }
0x4: {  	p0 =	sne.s32 s4, s5  }
.Ltmp0:
0x5: {  	_ = 	snop;
	(pc) =	sbr.rel @p0 .LBB2_4-.Ltmp0, $4  }
0x6: {  	_ = 	snop  }
0x7: {  	s2 =	rddreg [dreg:$0x0]  }
0x8: {  	s3 =	rddreg [dreg:$0x1]  }
0x9: {  	s1 =	rddreg [dreg:$0x2];
	_ =	strace $0x80000047  }
0xa: {  	s5 =	simm.s32 $0x0;
	s4 =	simm.s32 $0x2  }
0xb: {  	[tilespmem:s5], [sflag:$0x2] =	stream.linear.gather [hbm4b:s3+s5], $0x80, $0x38;
	[tilespmem:$0x3100] =	vst v63  }
0xc: {  	_ =	swait.ge [sflag:s4], $0x80  }
0xd: {  	[sflag:s4] =	ssyncset.done $0x0  }
0xe: {  	[sflag:s4] =	ssyncadd.s32 $0xFFFFFF80  }
0xf: {  	v0 =	vld [tilespmem:$0x0]  }
0x10: {  	v1 =	vld [tilespmem:$0x10];
	_ =	sdelay $0x2  }
0x11: {  	s6 =	ssub.s32 $0x2, s6  }
0x12: {  	s7 =	sshrl.u32 s6, $0x1;
	[tilespmem:$0x80] =	vst v0  }
0x13: {  	s6 =	ssub.s32 s6, s7;
	v2 =	vadd.s32 $0xFFFFFFFF, v0;
	[tilespmem:$0x90] =	vst v1  }
0x14: {  	s11 =	smax.u32 s6, $0x1;
	v0 =	vadd.s32 $0x3E8, v0;
	[tilespmem:$0xA0] =	vst v2  }
0x15: {  	p0 =	sne.s32 s11, $0x1;
	v62 =	vadd.s32 $0xFFFFFFFF, v1;
	[tilespmem:$0xC0] =	vst v0  }
.Ltmp1:
0x16: {  	s8 =	simm.s32 $0x80;
	v63 =	vadd.s32 $0x3E8, v1;
	[tilespmem:$0xB0] =	vst v62;
	(pc) =	sbr.rel @!p0 .LBB2_3-.Ltmp1, $4  }
0x17: {  	s9 =	simm.s32 $0x1;
	s7 =	simm.s32 $0x100;
	s6 =	simm.s32 $0x60;
	[tilespmem:$0xD0] =	vst v63  }
0x18: {  	[tilespmem:s7], [sflag:$0x1] =	stream.indirect.gather [hbm4b:s2+s6], $0x80, s8, s6, $0xb8;
	[tilespmem:$0x3100] =	vst v63  }
0x19: {  	_ =	swait.ge [sflag:s9], $0x3000  }
0x1a: {  	s10 =	sadd.s32 $0x7E00, s2;
	s11 =	sadd.s32 $0xFFFFFFFF, s11;
	[sflag:s9] =	ssyncset.done $0x0  }
.LBB2_2:
0x1b: {  	p0 =	sne.s32 s11, $0x1;
	s11 =	sadd.s32 $0xFFFFFFFF, s11;
	[sflag:s9] =	ssyncadd.s32 $0xFFFFD000  }
0x1c: {  	[hbm4b:s10+s5] =	stream.linear.scatter [tilespmem:s7], [sflag:$0x2], $0x3000, $0x38;
	[tilespmem:$0x3100] =	vst v63  }
0x1d: {  	_ =	swait.ge [sflag:s4], $0x3000  }
0x1e: {  	[sflag:s4] =	ssyncset.done $0x0  }
0x1f: {  	[sflag:s4] =	ssyncadd.s32 $0xFFFFD000  }
0x20: {  	[tilespmem:s5], [sflag:$0x2] =	stream.linear.gather [hbm4b:s3+s5], $0x80, $0x38;
	[tilespmem:$0x3100] =	vst v63  }
0x21: {  	_ =	swait.ge [sflag:s4], $0x80  }
0x22: {  	[sflag:s4] =	ssyncset.done $0x0  }
0x23: {  	[sflag:s4] =	ssyncadd.s32 $0xFFFFFF80  }
0x24: {  	v0 =	vld [tilespmem:$0x0]  }
0x25: {  	v1 =	vld [tilespmem:$0x10];
	_ =	sdelay $0x3  }
0x26: {  	[tilespmem:$0x80] =	vst v0;
	v2 =	vadd.s32 $0xFFFFFFFF, v0;
	v0 =	vadd.s32 $0x3E8, v0  }
0x27: {  	[tilespmem:$0xA0] =	vst v2;
	v2 =	vadd.s32 $0xFFFFFFFF, v1;
	v3 =	vadd.s32 $0x3E8, v1  }
0x28: {  	[tilespmem:$0x90] =	vst v1  }
0x29: {  	[tilespmem:$0xC0] =	vst v0  }
.Ltmp2:
0x2a: {  	[tilespmem:$0xB0] =	vst v2;
	(pc) =	sbr.rel @p0 .LBB2_2-.Ltmp2, $4  }
0x2b: {  	[tilespmem:$0xD0] =	vst v3  }
0x2c: {  	[tilespmem:s7], [sflag:$0x1] =	stream.indirect.gather [hbm4b:s2+s6], $0x80, s8, s6, $0xb8;
	[tilespmem:$0x3100] =	vst v63  }
0x2d: {  	_ =	swait.ge [sflag:s9], $0x3000  }
0x2e: {  	[sflag:s9] =	ssyncset.done $0x0  }
.LBB2_3:
0x2f: {  	[sflag:s9] =	ssyncadd.s32 $0xFFFFD000  }
0x30: {  	[hbm4b:s10+s5] =	stream.linear.scatter [tilespmem:s7], [sflag:$0x2], $0x3000, $0x38;
	[tilespmem:$0x3100] =	vst v63  }
0x31: {  	_ =	swait.ge [sflag:s4], $0x3000  }
0x32: {  	[sflag:s4] =	ssyncset.done $0x0  }
0x33: {  	[sflag:s4] =	ssyncadd.s32 $0xFFFFD000  }
.LBB2_4:
0x34: {  	_ =	sfence.sel $0x180000  }
0x35: {  	[bflag:$0x0] =	sbarrier.arrive $0xFFFF  }
0x36: {  	p0 =	sne.s32 s0, $0x0;
	_ =	strace $0x90000047  }
0x37: {  	s0 =	sadd.s32 @!p0 $0x100000, s1;
	[bflag:$0x2] =	sbarrier.arrive $0xFFFF  }
0x38: {  	[sflag:s0] =	ssyncadd.tile.s32 @!p0 $0x1;
	_ =	shalt  }
.Lfunc_end2:
_tile_overlayer_lowered:
.L_overlay_start_2:
0x39: {  	(tag) =	ssettag $0x2  }
0x3a: {  	s0 =	rddreg [dreg:$0x0];
	s2 =	stileid.u32  }
0x3b: {  	s1 =	rddreg [dreg:$0x1];
	p0 =	sne.s32 s2, $0x0  }
0x3c: {  	s3 =	rddreg [dreg:$0x2];
	[bflag:$0x3] =	sbarrier.arrive $0xFFFF;
	s2 =	simm.s32 @!p0 $0x1C02  }
0x3d: {  	[timem:s3], [sflag:s2] =	dma.local @!p0 [hbm:s0], s1  }
0x3e: {  	s0 =	simm.s32 @!p0 $0x2  }
0x3f: {  	_ =	swait.ge @!p0 [sflag:s0], s1  }
0x40: {  	s1 =	ssub.s32 @!p0 $0x0, s1;
	[sflag:s0] =	ssyncset.done @!p0 $0x0  }
0x41: {  	[sflag:s0] =	ssyncadd.s32 @!p0 s1  }
0x42: {  	[bflag:$0x3] =	sbarrier.arrive $0xFFFF  }
0x43: {  	_ =	shalt  }

</sc_bundles>
